<compile_context>
chip_gen: v7x
topology: tpu7x:2x2x1
jax: 0.10.2.dev20260603
libtpu: 0.0.44.dev20260713+nightly
codegen_flags: <defaults>
</compile_context>

<pallas_src>
import functools

import jax
import jax.numpy as jnp
from jax import lax
from jax.experimental import pallas as pl
from jax.experimental.pallas import tpu as pltpu
from jax.experimental.pallas import tpu_sc as plsc

VOCAB = 100000
EMBED_DIM = 300
BATCH = 1024
MAX_NORM = 1.0
N_TILE = 4096
NUM_TILES = -(-VOCAB // N_TILE)
VOCAB_PAD = NUM_TILES * N_TILE


def _gather_sc(idx, table):
    info = plsc.get_sparse_core_info()
    nw = info.num_cores * info.num_subcores
    b_per_w = BATCH // nw
    mesh = plsc.VectorSubcoreMesh(core_axis_name="c", subcore_axis_name="s")

    @functools.partial(
        pl.kernel,
        out_type=jax.ShapeDtypeStruct((BATCH, EMBED_DIM), jnp.float32),
        mesh=mesh,
        scratch_types=[
            pltpu.VMEM((b_per_w,), jnp.int32),
            pltpu.VMEM((b_per_w, EMBED_DIM), jnp.float32),
            pltpu.SemaphoreType.DMA,
        ],
    )
    def gather_kernel(idx_hbm, table_hbm, out_hbm, idx_v, rows_v, sem):
        wid = lax.axis_index("s") * info.num_cores + lax.axis_index("c")
        base = wid * b_per_w
        pltpu.sync_copy(idx_hbm.at[pl.ds(base, b_per_w)], idx_v)
        for i in range(b_per_w):
            vec = idx_v[pl.ds((i // 16) * 16, 16)]
            pltpu.async_copy(
                table_hbm.at[pl.ds(vec[i % 16], 1)],
                rows_v.at[pl.ds(i, 1)],
                sem,
            )
        for i in range(b_per_w):
            pltpu.make_async_copy(
                table_hbm.at[pl.ds(0, 1)],
                rows_v.at[pl.ds(i, 1)],
                sem,
            ).wait()
        pltpu.sync_copy(rows_v, out_hbm.at[pl.ds(base, b_per_w)])

    return gather_kernel(idx, table)


def _project_tc(x, W, b2):

    def mm_kernel(x_ref, w_ref, b_ref, o_ref, xs_ref):
        @pl.when(pl.program_id(0) == 0)
        def _():
            xv = x_ref[...].astype(jnp.float32)
            norm = jnp.sqrt(jnp.sum(xv * xv, axis=1, keepdims=True))
            scale = jnp.minimum(1.0, MAX_NORM / jnp.maximum(norm, 1e-12))
            xs_ref[...] = (xv * scale).astype(jnp.bfloat16)

        acc = lax.dot_general(
            xs_ref[...], w_ref[...], (((1,), (1,)), ((), ())),
            preferred_element_type=jnp.float32,
        )
        o_ref[...] = (acc + b_ref[0]).astype(jnp.bfloat16)

    return pl.pallas_call(
        mm_kernel,
        grid=(NUM_TILES,),
        in_specs=[
            pl.BlockSpec((BATCH, EMBED_DIM), lambda j: (0, 0)),
            pl.BlockSpec((N_TILE, EMBED_DIM), lambda j: (j, 0)),
            pl.BlockSpec((1, 1, N_TILE), lambda j: (j, 0, 0)),
        ],
        out_specs=pl.BlockSpec((BATCH, N_TILE), lambda j: (0, j)),
        out_shape=jax.ShapeDtypeStruct((BATCH, VOCAB), jnp.bfloat16),
        scratch_shapes=[pltpu.VMEM((BATCH, EMBED_DIM), jnp.bfloat16)],
    )(x, W, b2)


def kernel(inputs, emb_table, W, b):
    Wb = W.astype(jnp.bfloat16)
    b2 = jnp.pad(b, (0, VOCAB_PAD - VOCAB)).reshape(NUM_TILES, 1, N_TILE)
    x = _gather_sc(inputs.astype(jnp.int32), emb_table)
    return _project_tc(x, Wb, b2).astype(jnp.float32)

# --- scband reference (transcript-rebuilt; emitter-appended) ---
"""Pipeline reference for scband-skip-gram-model-47004122087555 (READ-ONLY COPY).

The authoritative reference and input builder live on the scoring server;
editing this copy changes nothing except your own understanding.
"""

import jax, jax.numpy as jnp
import numpy as np

VOCAB = 100000
EMBED_DIM = 300
MAX_NORM = 1.0
BATCH = 1024


def setup_inputs(seed: int = 0) -> dict:
    key = jax.random.key(seed)
    k1, k2, k3, k4 = jax.random.split(key, 4)
    inputs = jax.random.randint(k1, (BATCH,), 0, VOCAB)
    # nn.Embedding default init: N(0, 1)
    emb_table = jax.random.normal(k2, (VOCAB, EMBED_DIM), dtype=jnp.float32)
    # nn.Linear default init: U(-1/sqrt(fan_in), 1/sqrt(fan_in))
    bound = 1.0 / np.sqrt(EMBED_DIM)
    W = jax.random.uniform(k3, (VOCAB, EMBED_DIM), dtype=jnp.float32, minval=-bound, maxval=bound)
    b = jax.random.uniform(k4, (VOCAB,), dtype=jnp.float32, minval=-bound, maxval=bound)
    return {"inputs": inputs, "emb_table": emb_table, "W": W, "b": b}


def reference(inputs, emb_table, W, b):
    # nn.Embedding lookup (gather)
    embedded = jnp.take(emb_table, inputs, axis=0)  # [B, 300]
    # Emulate max_norm=1: looked-up rows with norm > max_norm are renormalized
    norms = jnp.linalg.norm(embedded, axis=-1, keepdims=True)
    scale = jnp.minimum(1.0, MAX_NORM / jnp.maximum(norms, 1e-12))
    embedded = embedded * scale
    # nn.Linear: x @ W.T + b -> [B, vocab]
    output = embedded @ W.T + b
    return output

if __name__ == "__main__":
    import jax
    _d = setup_inputs()
    print(jax.jit(kernel)(*tuple(_d.values())))

</pallas_src>

<mosaic_0001>
#map = affine_map<(d0, d1) -> (0)>
#map1 = affine_map<(d0, d1) -> (0, 0)>
module attributes {stable_mosaic.version = 14 : i64} {
  func.func @gather_kernel(%arg0: i32, %arg1: i32, %arg2: memref<1024xi32, #tpu.memory_space<hbm>>, %arg3: memref<100000x300xf32, #tpu.memory_space<hbm>>, %arg4: memref<1024x300xf32, #tpu.memory_space<hbm>>, %arg5: memref<32xi32, #tpu.memory_space<vmem>>, %arg6: memref<32x300xf32, #tpu.memory_space<vmem>>, %arg7: memref<!tpu.dma_semaphore, #tpu.memory_space<semaphore_mem>>) attributes {dimension_semantics = [#tpu.dimension_semantics<core_parallel>, #tpu.dimension_semantics<subcore_parallel>], iteration_bounds = array<i64: 2, 16>, scalar_prefetch = 0 : i64, scratch_operands = 3 : i64, tpu.core_type = #tpu.core_type<sc_vector_subcore>, window_params = [{transform_indices = #map}, {transform_indices = #map1}, {transform_indices = #map1}]} {
    %mul3A = arith.constant 2 : i32
    %mul3A_0 = arith.muli %arg1, %mul3A : i32
    %add3A = arith.addi %mul3A_0, %arg0 : i32
    %mul3A_1 = arith.constant 32 : i32
    %mul3A_2 = arith.muli %add3A, %mul3A_1 : i32
    "tpu.region"() ({
      %run_scoped3A = tpu.sem_alloc : memref<!tpu.dma_semaphore, #tpu.memory_space<semaphore_mem>>
      %dma_start3A_862 = tpu.memref_slice %arg2[%mul3A_2] : memref<1024xi32, #tpu.memory_space<hbm>> -> memref<32xi32, #tpu.memory_space<hbm>>
      %dma_start3A_863 = tpu.memref_slice %arg2[%mul3A_2] : memref<1024xi32, #tpu.memory_space<hbm>> -> memref<32xi32, #tpu.memory_space<hbm>>
      tpu.enqueue_dma source(%dma_start3A_863 : memref<32xi32, #tpu.memory_space<hbm>>) target(%arg5 : memref<32xi32, #tpu.memory_space<vmem>>) target_semaphore(%run_scoped3A : memref<!tpu.dma_semaphore, #tpu.memory_space<semaphore_mem>>)
      %dma_wait3A_864 = tpu.memref_slice %arg2[%mul3A_2] : memref<1024xi32, #tpu.memory_space<hbm>> -> memref<32xi32, #tpu.memory_space<hbm>>
      %dma_wait3A_865 = tpu.memref_slice %arg2[%mul3A_2] : memref<1024xi32, #tpu.memory_space<hbm>> -> memref<32xi32, #tpu.memory_space<hbm>>
      tpu.wait_dma2 semaphore(%run_scoped3A : memref<!tpu.dma_semaphore, #tpu.memory_space<semaphore_mem>>) src(%dma_wait3A_865 : memref<32xi32, #tpu.memory_space<hbm>>) dst(%arg5 : memref<32xi32, #tpu.memory_space<vmem>>)
      tpu.yield
    }) : () -> ()
    %get3A = arith.constant 0 : index
    %get3A_3 = tpu.vector_load %arg5[%get3A] {strides = array<i32>} : memref<32xi32, #tpu.memory_space<vmem>>, vector<16xi32>,
    %get3A_4 = vector.shape_cast %get3A_3 : vector<16xi32> to vector<16xi32>
    %slice3A = vector.extract_strided_slice %get3A_4 {offsets = [0], sizes = [1], strides = [1]} : vector<16xi32> to vector<1xi32>
    %squeeze3A = vector.extract %slice3A[0] : i32 from vector<1xi32>
    %dma_start3A = arith.constant 0 : i32
    %dma_start3A_5 = arith.constant 0 : i32
    %dma_start3A_6 = tpu.memref_slice %arg6[%dma_start3A, %dma_start3A_5] : memref<32x300xf32, #tpu.memory_space<vmem>> -> memref<1x300xf32, #tpu.memory_space<vmem>>
    %dma_start3A_7 = arith.constant 0 : i32
    %dma_start3A_8 = tpu.memref_slice %arg3[%squeeze3A, %dma_start3A_7] : memref<100000x300xf32, #tpu.memory_space<hbm>> -> memref<1x300xf32, #tpu.memory_space<hbm>>
    %dma_start3A_9 = arith.constant 0 : i32
    %dma_start3A_10 = arith.constant 0 : i32
    %dma_start3A_11 = tpu.memref_slice %arg6[%dma_start3A_9, %dma_start3A_10] : memref<32x300xf32, #tpu.memory_space<vmem>> -> memref<1x300xf32, #tpu.memory_space<vmem>>
    %dma_start3A_12 = arith.constant 0 : i32
    %dma_start3A_13 = tpu.memref_slice %arg3[%squeeze3A, %dma_start3A_12] : memref<100000x300xf32, #tpu.memory_space<hbm>> -> memref<1x300xf32, #tpu.memory_space<hbm>>
    tpu.enqueue_dma source(%dma_start3A_13 : memref<1x300xf32, #tpu.memory_space<hbm>>) target(%dma_start3A_11 : memref<1x300xf32, #tpu.memory_space<vmem>>) target_semaphore(%arg7 : memref<!tpu.dma_semaphore, #tpu.memory_space<semaphore_mem>>)
    %get3A_14 = arith.constant 0 : index
    %get3A_15 = tpu.vector_load %arg5[%get3A_14] {strides = array<i32>} : memref<32xi32, #tpu.memory_space<vmem>>, vector<16xi32>,
    %get3A_16 = vector.shape_cast %get3A_15 : vector<16xi32> to vector<16xi32>
    %slice3A_17 = vector.extract_strided_slice %get3A_16 {offsets = [1], sizes = [1], strides = [1]} : vector<16xi32> to vector<1xi32>
    %squeeze3A_18 = vector.extract %slice3A_17[0] : i32 from vector<1xi32>
    %dma_start3A_19 = arith.constant 1 : i32
    %dma_start3A_20 = arith.constant 0 : i32
    %dma_start3A_21 = tpu.memref_slice %arg6[%dma_start3A_19, %dma_start3A_20] : memref<32x300xf32, #tpu.memory_space<vmem>> -> memref<1x300xf32, #tpu.memory_space<vmem>>
    %dma_start3A_22 = arith.constant 0 : i32
    %dma_start3A_23 = tpu.memref_slice %arg3[%squeeze3A_18, %dma_start3A_22] : memref<100000x300xf32, #tpu.memory_space<hbm>> -> memref<1x300xf32, #tpu.memory_space<hbm>>
    %dma_start3A_24 = arith.constant 1 : i32
    %dma_start3A_25 = arith.constant 0 : i32
    %dma_start3A_26 = tpu.memref_slice %arg6[%dma_start3A_24, %dma_start3A_25] : memref<32x300xf32, #tpu.memory_space<vmem>> -> memref<1x300xf32, #tpu.memory_space<vmem>>
    %dma_start3A_27 = arith.constant 0 : i32
    %dma_start3A_28 = tpu.memref_slice %arg3[%squeeze3A_18, %dma_start3A_27] : memref<100000x300xf32, #tpu.memory_space<hbm>> -> memref<1x300xf32, #tpu.memory_space<hbm>>
    tpu.enqueue_dma source(%dma_start3A_28 : memref<1x300xf32, #tpu.memory_space<hbm>>) target(%dma_start3A_26 : memref<1x300xf32, #tpu.memory_space<vmem>>) target_semaphore(%arg7 : memref<!tpu.dma_semaphore, #tpu.memory_space<semaphore_mem>>)
    %get3A_29 = arith.constant 0 : index
    %get3A_30 = tpu.vector_load %arg5[%get3A_29] {strides = array<i32>} : memref<32xi32, #tpu.memory_space<vmem>>, vector<16xi32>,
    %get3A_31 = vector.shape_cast %get3A_30 : vector<16xi32> to vector<16xi32>
    %slice3A_32 = vector.extract_strided_slice %get3A_31 {offsets = [2], sizes = [1], strides = [1]} : vector<16xi32> to vector<1xi32>
    %squeeze3A_33 = vector.extract %slice3A_32[0] : i32 from vector<1xi32>
    %dma_start3A_34 = arith.constant 2 : i32
    %dma_start3A_35 = arith.constant 0 : i32
    %dma_start3A_36 = tpu.memref_slice %arg6[%dma_start3A_34, %dma_start3A_35] : memref<32x300xf32, #tpu.memory_space<vmem>> -> memref<1x300xf32, #tpu.memory_space<vmem>>
    %dma_start3A_37 = arith.constant 0 : i32
    %dma_start3A_38 = tpu.memref_slice %arg3[%squeeze3A_33, %dma_start3A_37] : memref<100000x300xf32, #tpu.memory_space<hbm>> -> memref<1x300xf32, #tpu.memory_space<hbm>>
    %dma_start3A_39 = arith.constant 2 : i32
    %dma_start3A_40 = arith.constant 0 : i32
    %dma_start3A_41 = tpu.memref_slice %arg6[%dma_start3A_39, %dma_start3A_40] : memref<32x300xf32, #tpu.memory_space<vmem>> -> memref<1x300xf32, #tpu.memory_space<vmem>>
    %dma_start3A_42 = arith.constant 0 : i32
    %dma_start3A_43 = tpu.memref_slice %arg3[%squeeze3A_33, %dma_start3A_42] : memref<100000x300xf32, #tpu.memory_space<hbm>> -> memref<1x300xf32, #tpu.memory_space<hbm>>
    tpu.enqueue_dma source(%dma_start3A_43 : memref<1x300xf32, #tpu.memory_space<hbm>>) target(%dma_start3A_41 : memref<1x300xf32, #tpu.memory_space<vmem>>) target_semaphore(%arg7 : memref<!tpu.dma_semaphore, #tpu.memory_space<semaphore_mem>>)
    %get3A_44 = arith.constant 0 : index
    %get3A_45 = tpu.vector_load %arg5[%get3A_44] {strides = array<i32>} : memref<32xi32, #tpu.memory_space<vmem>>, vector<16xi32>,
    %get3A_46 = vector.shape_cast %get3A_45 : vector<16xi32> to vector<16xi32>
    %slice3A_47 = vector.extract_strided_slice %get3A_46 {offsets = [3], sizes = [1], strides = [1]} : vector<16xi32> to vector<1xi32>
    %squeeze3A_48 = vector.extract %slice3A_47[0] : i32 from vector<1xi32>
    %dma_start3A_49 = arith.constant 3 : i32
    %dma_start3A_50 = arith.constant 0 : i32
    %dma_start3A_51 = tpu.memref_slice %arg6[%dma_start3A_49, %dma_start3A_50] : memref<32x300xf32, #tpu.memory_space<vmem>> -> memref<1x300xf32, #tpu.memory_space<vmem>>
    %dma_start3A_52 = arith.constant 0 : i32
    %dma_start3A_53 = tpu.memref_slice %arg3[%squeeze3A_48, %dma_start3A_52] : memref<100000x300xf32, #tpu.memory_space<hbm>> -> memref<1x300xf32, #tpu.memory_space<hbm>>
    %dma_start3A_54 = arith.constant 3 : i32
    %dma_start3A_55 = arith.constant 0 : i32
    %dma_start3A_56 = tpu.memref_slice %arg6[%dma_start3A_54, %dma_start3A_55] : memref<32x300xf32, #tpu.memory_space<vmem>> -> memref<1x300xf32, #tpu.memory_space<vmem>>
    %dma_start3A_57 = arith.constant 0 : i32
    %dma_start3A_58 = tpu.memref_slice %arg3[%squeeze3A_48, %dma_start3A_57] : memref<100000x300xf32, #tpu.memory_space<hbm>> -> memref<1x300xf32, #tpu.memory_space<hbm>>
    tpu.enqueue_dma source(%dma_start3A_58 : memref<1x300xf32, #tpu.memory_space<hbm>>) target(%dma_start3A_56 : memref<1x300xf32, #tpu.memory_space<vmem>>) target_semaphore(%arg7 : memref<!tpu.dma_semaphore, #tpu.memory_space<semaphore_mem>>)
    %get3A_59 = arith.constant 0 : index
    %get3A_60 = tpu.vector_load %arg5[%get3A_59] {strides = array<i32>} : memref<32xi32, #tpu.memory_space<vmem>>, vector<16xi32>,
    %get3A_61 = vector.shape_cast %get3A_60 : vector<16xi32> to vector<16xi32>
    %slice3A_62 = vector.extract_strided_slice %get3A_61 {offsets = [4], sizes = [1], strides = [1]} : vector<16xi32> to vector<1xi32>
    %squeeze3A_63 = vector.extract %slice3A_62[0] : i32 from vector<1xi32>
    %dma_start3A_64 = arith.constant 4 : i32
    %dma_start3A_65 = arith.constant 0 : i32
    %dma_start3A_66 = tpu.memref_slice %arg6[%dma_start3A_64, %dma_start3A_65] : memref<32x300xf32, #tpu.memory_space<vmem>> -> memref<1x300xf32, #tpu.memory_space<vmem>>
    %dma_start3A_67 = arith.constant 0 : i32
    %dma_start3A_68 = tpu.memref_slice %arg3[%squeeze3A_63, %dma_start3A_67] : memref<100000x300xf32, #tpu.memory_space<hbm>> -> memref<1x300xf32, #tpu.memory_space<hbm>>
    %dma_start3A_69 = arith.constant 4 : i32
    %dma_start3A_70 = arith.constant 0 : i32
    %dma_start3A_71 = tpu.memref_slice %arg6[%dma_start3A_69, %dma_start3A_70] : memref<32x300xf32, #tpu.memory_space<vmem>> -> memref<1x300xf32, #tpu.memory_space<vmem>>
    %dma_start3A_72 = arith.constant 0 : i32
    %dma_start3A_73 = tpu.memref_slice %arg3[%squeeze3A_63, %dma_start3A_72] : memref<100000x300xf32, #tpu.memory_space<hbm>> -> memref<1x300xf32, #tpu.memory_space<hbm>>
    tpu.enqueue_dma source(%dma_start3A_73 : memref<1x300xf32, #tpu.memory_space<hbm>>) target(%dma_start3A_71 : memref<1x300xf32, #tpu.memory_space<vmem>>) target_semaphore(%arg7 : memref<!tpu.dma_semaphore, #tpu.memory_space<semaphore_mem>>)
    %get3A_74 = arith.constant 0 : index
    %get3A_75 = tpu.vector_load %arg5[%get3A_74] {strides = array<i32>} : memref<32xi32, #tpu.memory_space<vmem>>, vector<16xi32>,
    %get3A_76 = vector.shape_cast %get3A_75 : vector<16xi32> to vector<16xi32>
    %slice3A_77 = vector.extract_strided_slice %get3A_76 {offsets = [5], sizes = [1], strides = [1]} : vector<16xi32> to vector<1xi32>
    %squeeze3A_78 = vector.extract %slice3A_77[0] : i32 from vector<1xi32>
    %dma_start3A_79 = arith.constant 5 : i32
    %dma_start3A_80 = arith.constant 0 : i32
    %dma_start3A_81 = tpu.memref_slice %arg6[%dma_start3A_79, %dma_start3A_80] : memref<32x300xf32, #tpu.memory_space<vmem>> -> memref<1x300xf32, #tpu.memory_space<vmem>>
    %dma_start3A_82 = arith.constant 0 : i32
    %dma_start3A_83 = tpu.memref_slice %arg3[%squeeze3A_78, %dma_start3A_82] : memref<100000x300xf32, #tpu.memory_space<hbm>> -> memref<1x300xf32, #tpu.memory_space<hbm>>
    %dma_start3A_84 = arith.constant 5 : i32
    %dma_start3A_85 = arith.constant 0 : i32
    %dma_start3A_86 = tpu.memref_slice %arg6[%dma_start3A_84, %dma_start3A_85] : memref<32x300xf32, #tpu.memory_space<vmem>> -> memref<1x300xf32, #tpu.memory_space<vmem>>
    %dma_start3A_87 = arith.constant 0 : i32
    %dma_start3A_88 = tpu.memref_slice %arg3[%squeeze3A_78, %dma_start3A_87] : memref<100000x300xf32, #tpu.memory_space<hbm>> -> memref<1x300xf32, #tpu.memory_space<hbm>>
    tpu.enqueue_dma source(%dma_start3A_88 : memref<1x300xf32, #tpu.memory_space<hbm>>) target(%dma_start3A_86 : memref<1x300xf32, #tpu.memory_space<vmem>>) target_semaphore(%arg7 : memref<!tpu.dma_semaphore, #tpu.memory_space<semaphore_mem>>)
    %get3A_89 = arith.constant 0 : index
    %get3A_90 = tpu.vector_load %arg5[%get3A_89] {strides = array<i32>} : memref<32xi32, #tpu.memory_space<vmem>>, vector<16xi32>,
    %get3A_91 = vector.shape_cast %get3A_90 : vector<16xi32> to vector<16xi32>
    %slice3A_92 = vector.extract_strided_slice %get3A_91 {offsets = [6], sizes = [1], strides = [1]} : vector<16xi32> to vector<1xi32>
    %squeeze3A_93 = vector.extract %slice3A_92[0] : i32 from vector<1xi32>
    %dma_start3A_94 = arith.constant 6 : i32
    %dma_start3A_95 = arith.constant 0 : i32
    %dma_start3A_96 = tpu.memref_slice %arg6[%dma_start3A_94, %dma_start3A_95] : memref<32x300xf32, #tpu.memory_space<vmem>> -> memref<1x300xf32, #tpu.memory_space<vmem>>
    %dma_start3A_97 = arith.constant 0 : i32
    %dma_start3A_98 = tpu.memref_slice %arg3[%squeeze3A_93, %dma_start3A_97] : memref<100000x300xf32, #tpu.memory_space<hbm>> -> memref<1x300xf32, #tpu.memory_space<hbm>>
    %dma_start3A_99 = arith.constant 6 : i32
    %dma_start3A_100 = arith.constant 0 : i32
    %dma_start3A_101 = tpu.memref_slice %arg6[%dma_start3A_99, %dma_start3A_100] : memref<32x300xf32, #tpu.memory_space<vmem>> -> memref<1x300xf32, #tpu.memory_space<vmem>>
    %dma_start3A_102 = arith.constant 0 : i32
    %dma_start3A_103 = tpu.memref_slice %arg3[%squeeze3A_93, %dma_start3A_102] : memref<100000x300xf32, #tpu.memory_space<hbm>> -> memref<1x300xf32, #tpu.memory_space<hbm>>
    tpu.enqueue_dma source(%dma_start3A_103 : memref<1x300xf32, #tpu.memory_space<hbm>>) target(%dma_start3A_101 : memref<1x300xf32, #tpu.memory_space<vmem>>) target_semaphore(%arg7 : memref<!tpu.dma_semaphore, #tpu.memory_space<semaphore_mem>>)
    %get3A_104 = arith.constant 0 : index
    %get3A_105 = tpu.vector_load %arg5[%get3A_104] {strides = array<i32>} : memref<32xi32, #tpu.memory_space<vmem>>, vector<16xi32>,
    %get3A_106 = vector.shape_cast %get3A_105 : vector<16xi32> to vector<16xi32>
    %slice3A_107 = vector.extract_strided_slice %get3A_106 {offsets = [7], sizes = [1], strides = [1]} : vector<16xi32> to vector<1xi32>
    %squeeze3A_108 = vector.extract %slice3A_107[0] : i32 from vector<1xi32>
    %dma_start3A_109 = arith.constant 7 : i32
    %dma_start3A_110 = arith.constant 0 : i32
    %dma_start3A_111 = tpu.memref_slice %arg6[%dma_start3A_109, %dma_start3A_110] : memref<32x300xf32, #tpu.memory_space<vmem>> -> memref<1x300xf32, #tpu.memory_space<vmem>>
    %dma_start3A_112 = arith.constant 0 : i32
    %dma_start3A_113 = tpu.memref_slice %arg3[%squeeze3A_108, %dma_start3A_112] : memref<100000x300xf32, #tpu.memory_space<hbm>> -> memref<1x300xf32, #tpu.memory_space<hbm>>
    %dma_start3A_114 = arith.constant 7 : i32
    %dma_start3A_115 = arith.constant 0 : i32
    %dma_start3A_116 = tpu.memref_slice %arg6[%dma_start3A_114, %dma_start3A_115] : memref<32x300xf32, #tpu.memory_space<vmem>> -> memref<1x300xf32, #tpu.memory_space<vmem>>
    %dma_start3A_117 = arith.constant 0 : i32
    %dma_start3A_118 = tpu.memref_slice %arg3[%squeeze3A_108, %dma_start3A_117] : memref<100000x300xf32, #tpu.memory_space<hbm>> -> memref<1x300xf32, #tpu.memory_space<hbm>>
    tpu.enqueue_dma source(%dma_start3A_118 : memref<1x300xf32, #tpu.memory_space<hbm>>) target(%dma_start3A_116 : memref<1x300xf32, #tpu.memory_space<vmem>>) target_semaphore(%arg7 : memref<!tpu.dma_semaphore, #tpu.memory_space<semaphore_mem>>)
    %get3A_119 = arith.constant 0 : index
    %get3A_120 = tpu.vector_load %arg5[%get3A_119] {strides = array<i32>} : memref<32xi32, #tpu.memory_space<vmem>>, vector<16xi32>,
    %get3A_121 = vector.shape_cast %get3A_120 : vector<16xi32> to vector<16xi32>
    %slice3A_122 = vector.extract_strided_slice %get3A_121 {offsets = [8], sizes = [1], strides = [1]} : vector<16xi32> to vector<1xi32>
    %squeeze3A_123 = vector.extract %slice3A_122[0] : i32 from vector<1xi32>
    %dma_start3A_124 = arith.constant 8 : i32
    %dma_start3A_125 = arith.constant 0 : i32
    %dma_start3A_126 = tpu.memref_slice %arg6[%dma_start3A_124, %dma_start3A_125] : memref<32x300xf32, #tpu.memory_space<vmem>> -> memref<1x300xf32, #tpu.memory_space<vmem>>
    %dma_start3A_127 = arith.constant 0 : i32
    %dma_start3A_128 = tpu.memref_slice %arg3[%squeeze3A_123, %dma_start3A_127] : memref<100000x300xf32, #tpu.memory_space<hbm>> -> memref<1x300xf32, #tpu.memory_space<hbm>>
    %dma_start3A_129 = arith.constant 8 : i32
    %dma_start3A_130 = arith.constant 0 : i32
    %dma_start3A_131 = tpu.memref_slice %arg6[%dma_start3A_129, %dma_start3A_130] : memref<32x300xf32, #tpu.memory_space<vmem>> -> memref<1x300xf32, #tpu.memory_space<vmem>>
    %dma_start3A_132 = arith.constant 0 : i32
    %dma_start3A_133 = tpu.memref_slice %arg3[%squeeze3A_123, %dma_start3A_132] : memref<100000x300xf32, #tpu.memory_space<hbm>> -> memref<1x300xf32, #tpu.memory_space<hbm>>
    tpu.enqueue_dma source(%dma_start3A_133 : memref<1x300xf32, #tpu.memory_space<hbm>>) target(%dma_start3A_131 : memref<1x300xf32, #tpu.memory_space<vmem>>) target_semaphore(%arg7 : memref<!tpu.dma_semaphore, #tpu.memory_space<semaphore_mem>>)
    %get3A_134 = arith.constant 0 : index
    %get3A_135 = tpu.vector_load %arg5[%get3A_134] {strides = array<i32>} : memref<32xi32, #tpu.memory_space<vmem>>, vector<16xi32>,
    %get3A_136 = vector.shape_cast %get3A_135 : vector<16xi32> to vector<16xi32>
    %slice3A_137 = vector.extract_strided_slice %get3A_136 {offsets = [9], sizes = [1], strides = [1]} : vector<16xi32> to vector<1xi32>
    %squeeze3A_138 = vector.extract %slice3A_137[0] : i32 from vector<1xi32>
    %dma_start3A_139 = arith.constant 9 : i32
    %dma_start3A_140 = arith.constant 0 : i32
    %dma_start3A_141 = tpu.memref_slice %arg6[%dma_start3A_139, %dma_start3A_140] : memref<32x300xf32, #tpu.memory_space<vmem>> -> memref<1x300xf32, #tpu.memory_space<vmem>>
    %dma_start3A_142 = arith.constant 0 : i32
    %dma_start3A_143 = tpu.memref_slice %arg3[%squeeze3A_138, %dma_start3A_142] : memref<100000x300xf32, #tpu.memory_space<hbm>> -> memref<1x300xf32, #tpu.memory_space<hbm>>
    %dma_start3A_144 = arith.constant 9 : i32
    %dma_start3A_145 = arith.constant 0 : i32
    %dma_start3A_146 = tpu.memref_slice %arg6[%dma_start3A_144, %dma_start3A_145] : memref<32x300xf32, #tpu.memory_space<vmem>> -> memref<1x300xf32, #tpu.memory_space<vmem>>
    %dma_start3A_147 = arith.constant 0 : i32
    %dma_start3A_148 = tpu.memref_slice %arg3[%squeeze3A_138, %dma_start3A_147] : memref<100000x300xf32, #tpu.memory_space<hbm>> -> memref<1x300xf32, #tpu.memory_space<hbm>>
    tpu.enqueue_dma source(%dma_start3A_148 : memref<1x300xf32, #tpu.memory_space<hbm>>) target(%dma_start3A_146 : memref<1x300xf32, #tpu.memory_space<vmem>>) target_semaphore(%arg7 : memref<!tpu.dma_semaphore, #tpu.memory_space<semaphore_mem>>)
    %get3A_149 = arith.constant 0 : index
    %get3A_150 = tpu.vector_load %arg5[%get3A_149] {strides = array<i32>} : memref<32xi32, #tpu.memory_space<vmem>>, vector<16xi32>,
    %get3A_151 = vector.shape_cast %get3A_150 : vector<16xi32> to vector<16xi32>
    %slice3A_152 = vector.extract_strided_slice %get3A_151 {offsets = [10], sizes = [1], strides = [1]} : vector<16xi32> to vector<1xi32>
    %squeeze3A_153 = vector.extract %slice3A_152[0] : i32 from vector<1xi32>
    %dma_start3A_154 = arith.constant 10 : i32
    %dma_start3A_155 = arith.constant 0 : i32
    %dma_start3A_156 = tpu.memref_slice %arg6[%dma_start3A_154, %dma_start3A_155] : memref<32x300xf32, #tpu.memory_space<vmem>> -> memref<1x300xf32, #tpu.memory_space<vmem>>
    %dma_start3A_157 = arith.constant 0 : i32
    %dma_start3A_158 = tpu.memref_slice %arg3[%squeeze3A_153, %dma_start3A_157] : memref<100000x300xf32, #tpu.memory_space<hbm>> -> memref<1x300xf32, #tpu.memory_space<hbm>>
    %dma_start3A_159 = arith.constant 10 : i32
    %dma_start3A_160 = arith.constant 0 : i32
    %dma_start3A_161 = tpu.memref_slice %arg6[%dma_start3A_159, %dma_start3A_160] : memref<32x300xf32, #tpu.memory_space<vmem>> -> memref<1x300xf32, #tpu.memory_space<vmem>>
    %dma_start3A_162 = arith.constant 0 : i32
    %dma_start3A_163 = tpu.memref_slice %arg3[%squeeze3A_153, %dma_start3A_162] : memref<100000x300xf32, #tpu.memory_space<hbm>> -> memref<1x300xf32, #tpu.memory_space<hbm>>
    tpu.enqueue_dma source(%dma_start3A_163 : memref<1x300xf32, #tpu.memory_space<hbm>>) target(%dma_start3A_161 : memref<1x300xf32, #tpu.memory_space<vmem>>) target_semaphore(%arg7 : memref<!tpu.dma_semaphore, #tpu.memory_space<semaphore_mem>>)
    %get3A_164 = arith.constant 0 : index
    %get3A_165 = tpu.vector_load %arg5[%get3A_164] {strides = array<i32>} : memref<32xi32, #tpu.memory_space<vmem>>, vector<16xi32>,
    %get3A_166 = vector.shape_cast %get3A_165 : vector<16xi32> to vector<16xi32>
    %slice3A_167 = vector.extract_strided_slice %get3A_166 {offsets = [11], sizes = [1], strides = [1]} : vector<16xi32> to vector<1xi32>
    %squeeze3A_168 = vector.extract %slice3A_167[0] : i32 from vector<1xi32>
    %dma_start3A_169 = arith.constant 11 : i32
    %dma_start3A_170 = arith.constant 0 : i32
    %dma_start3A_171 = tpu.memref_slice %arg6[%dma_start3A_169, %dma_start3A_170] : memref<32x300xf32, #tpu.memory_space<vmem>> -> memref<1x300xf32, #tpu.memory_space<vmem>>
    %dma_start3A_172 = arith.constant 0 : i32
    %dma_start3A_173 = tpu.memref_slice %arg3[%squeeze3A_168, %dma_start3A_172] : memref<100000x300xf32, #tpu.memory_space<hbm>> -> memref<1x300xf32, #tpu.memory_space<hbm>>
    %dma_start3A_174 = arith.constant 11 : i32
    %dma_start3A_175 = arith.constant 0 : i32
    %dma_start3A_176 = tpu.memref_slice %arg6[%dma_start3A_174, %dma_start3A_175] : memref<32x300xf32, #tpu.memory_space<vmem>> -> memref<1x300xf32, #tpu.memory_space<vmem>>
    %dma_start3A_177 = arith.constant 0 : i32
    %dma_start3A_178 = tpu.memref_slice %arg3[%squeeze3A_168, %dma_start3A_177] : memref<100000x300xf32, #tpu.memory_space<hbm>> -> memref<1x300xf32, #tpu.memory_space<hbm>>
    tpu.enqueue_dma source(%dma_start3A_178 : memref<1x300xf32, #tpu.memory_space<hbm>>) target(%dma_start3A_176 : memref<1x300xf32, #tpu.memory_space<vmem>>) target_semaphore(%arg7 : memref<!tpu.dma_semaphore, #tpu.memory_space<semaphore_mem>>)
    %get3A_179 = arith.constant 0 : index
    %get3A_180 = tpu.vector_load %arg5[%get3A_179] {strides = array<i32>} : memref<32xi32, #tpu.memory_space<vmem>>, vector<16xi32>,
    %get3A_181 = vector.shape_cast %get3A_180 : vector<16xi32> to vector<16xi32>
    %slice3A_182 = vector.extract_strided_slice %get3A_181 {offsets = [12], sizes = [1], strides = [1]} : vector<16xi32> to vector<1xi32>
    %squeeze3A_183 = vector.extract %slice3A_182[0] : i32 from vector<1xi32>
    %dma_start3A_184 = arith.constant 12 : i32
    %dma_start3A_185 = arith.constant 0 : i32
    %dma_start3A_186 = tpu.memref_slice %arg6[%dma_start3A_184, %dma_start3A_185] : memref<32x300xf32, #tpu.memory_space<vmem>> -> memref<1x300xf32, #tpu.memory_space<vmem>>
    %dma_start3A_187 = arith.constant 0 : i32
    %dma_start3A_188 = tpu.memref_slice %arg3[%squeeze3A_183, %dma_start3A_187] : memref<100000x300xf32, #tpu.memory_space<hbm>> -> memref<1x300xf32, #tpu.memory_space<hbm>>
    %dma_start3A_189 = arith.constant 12 : i32
    %dma_start3A_190 = arith.constant 0 : i32
    %dma_start3A_191 = tpu.memref_slice %arg6[%dma_start3A_189, %dma_start3A_190] : memref<32x300xf32, #tpu.memory_space<vmem>> -> memref<1x300xf32, #tpu.memory_space<vmem>>
    %dma_start3A_192 = arith.constant 0 : i32
    %dma_start3A_193 = tpu.memref_slice %arg3[%squeeze3A_183, %dma_start3A_192] : memref<100000x300xf32, #tpu.memory_space<hbm>> -> memref<1x300xf32, #tpu.memory_space<hbm>>
    tpu.enqueue_dma source(%dma_start3A_193 : memref<1x300xf32, #tpu.memory_space<hbm>>) target(%dma_start3A_191 : memref<1x300xf32, #tpu.memory_space<vmem>>) target_semaphore(%arg7 : memref<!tpu.dma_semaphore, #tpu.memory_space<semaphore_mem>>)
    %get3A_194 = arith.constant 0 : index
    %get3A_195 = tpu.vector_load %arg5[%get3A_194] {strides = array<i32>} : memref<32xi32, #tpu.memory_space<vmem>>, vector<16xi32>,
    %get3A_196 = vector.shape_cast %get3A_195 : vector<16xi32> to vector<16xi32>
    %slice3A_197 = vector.extract_strided_slice %get3A_196 {offsets = [13], sizes = [1], strides = [1]} : vector<16xi32> to vector<1xi32>
    %squeeze3A_198 = vector.extract %slice3A_197[0] : i32 from vector<1xi32>
    %dma_start3A_199 = arith.constant 13 : i32
    %dma_start3A_200 = arith.constant 0 : i32
    %dma_start3A_201 = tpu.memref_slice %arg6[%dma_start3A_199, %dma_start3A_200] : memref<32x300xf32, #tpu.memory_space<vmem>> -> memref<1x300xf32, #tpu.memory_space<vmem>>
    %dma_start3A_202 = arith.constant 0 : i32
    %dma_start3A_203 = tpu.memref_slice %arg3[%squeeze3A_198, %dma_start3A_202] : memref<100000x300xf32, #tpu.memory_space<hbm>> -> memref<1x300xf32, #tpu.memory_space<hbm>>
    %dma_start3A_204 = arith.constant 13 : i32
    %dma_start3A_205 = arith.constant 0 : i32
    %dma_start3A_206 = tpu.memref_slice %arg6[%dma_start3A_204, %dma_start3A_205] : memref<32x300xf32, #tpu.memory_space<vmem>> -> memref<1x300xf32, #tpu.memory_space<vmem>>
    %dma_start3A_207 = arith.constant 0 : i32
    %dma_start3A_208 = tpu.memref_slice %arg3[%squeeze3A_198, %dma_start3A_207] : memref<100000x300xf32, #tpu.memory_space<hbm>> -> memref<1x300xf32, #tpu.memory_space<hbm>>
    tpu.enqueue_dma source(%dma_start3A_208 : memref<1x300xf32, #tpu.memory_space<hbm>>) target(%dma_start3A_206 : memref<1x300xf32, #tpu.memory_space<vmem>>) target_semaphore(%arg7 : memref<!tpu.dma_semaphore, #tpu.memory_space<semaphore_mem>>)
    %get3A_209 = arith.constant 0 : index
    %get3A_210 = tpu.vector_load %arg5[%get3A_209] {strides = array<i32>} : memref<32xi32, #tpu.memory_space<vmem>>, vector<16xi32>,
    %get3A_211 = vector.shape_cast %get3A_210 : vector<16xi32> to vector<16xi32>
    %slice3A_212 = vector.extract_strided_slice %get3A_211 {offsets = [14], sizes = [1], strides = [1]} : vector<16xi32> to vector<1xi32>
    %squeeze3A_213 = vector.extract %slice3A_212[0] : i32 from vector<1xi32>
    %dma_start3A_214 = arith.constant 14 : i32
    %dma_start3A_215 = arith.constant 0 : i32
    %dma_start3A_216 = tpu.memref_slice %arg6[%dma_start3A_214, %dma_start3A_215] : memref<32x300xf32, #tpu.memory_space<vmem>> -> memref<1x300xf32, #tpu.memory_space<vmem>>
    %dma_start3A_217 = arith.constant 0 : i32
    %dma_start3A_218 = tpu.memref_slice %arg3[%squeeze3A_213, %dma_start3A_217] : memref<100000x300xf32, #tpu.memory_space<hbm>> -> memref<1x300xf32, #tpu.memory_space<hbm>>
    %dma_start3A_219 = arith.constant 14 : i32
    %dma_start3A_220 = arith.constant 0 : i32
    %dma_start3A_221 = tpu.memref_slice %arg6[%dma_start3A_219, %dma_start3A_220] : memref<32x300xf32, #tpu.memory_space<vmem>> -> memref<1x300xf32, #tpu.memory_space<vmem>>
    %dma_start3A_222 = arith.constant 0 : i32
    %dma_start3A_223 = tpu.memref_slice %arg3[%squeeze3A_213, %dma_start3A_222] : memref<100000x300xf32, #tpu.memory_space<hbm>> -> memref<1x300xf32, #tpu.memory_space<hbm>>
    tpu.enqueue_dma source(%dma_start3A_223 : memref<1x300xf32, #tpu.memory_space<hbm>>) target(%dma_start3A_221 : memref<1x300xf32, #tpu.memory_space<vmem>>) target_semaphore(%arg7 : memref<!tpu.dma_semaphore, #tpu.memory_space<semaphore_mem>>)
    %get3A_224 = arith.constant 0 : index
    %get3A_225 = tpu.vector_load %arg5[%get3A_224] {strides = array<i32>} : memref<32xi32, #tpu.memory_space<vmem>>, vector<16xi32>,
    %get3A_226 = vector.shape_cast %get3A_225 : vector<16xi32> to vector<16xi32>
    %slice3A_227 = vector.extract_strided_slice %get3A_226 {offsets = [15], sizes = [1], strides = [1]} : vector<16xi32> to vector<1xi32>
    %squeeze3A_228 = vector.extract %slice3A_227[0] : i32 from vector<1xi32>
    %dma_start3A_229 = arith.constant 15 : i32
    %dma_start3A_230 = arith.constant 0 : i32
    %dma_start3A_231 = tpu.memref_slice %arg6[%dma_start3A_229, %dma_start3A_230] : memref<32x300xf32, #tpu.memory_space<vmem>> -> memref<1x300xf32, #tpu.memory_space<vmem>>
    %dma_start3A_232 = arith.constant 0 : i32
    %dma_start3A_233 = tpu.memref_slice %arg3[%squeeze3A_228, %dma_start3A_232] : memref<100000x300xf32, #tpu.memory_space<hbm>> -> memref<1x300xf32, #tpu.memory_space<hbm>>
    %dma_start3A_234 = arith.constant 15 : i32
    %dma_start3A_235 = arith.constant 0 : i32
    %dma_start3A_236 = tpu.memref_slice %arg6[%dma_start3A_234, %dma_start3A_235] : memref<32x300xf32, #tpu.memory_space<vmem>> -> memref<1x300xf32, #tpu.memory_space<vmem>>
    %dma_start3A_237 = arith.constant 0 : i32
    %dma_start3A_238 = tpu.memref_slice %arg3[%squeeze3A_228, %dma_start3A_237] : memref<100000x300xf32, #tpu.memory_space<hbm>> -> memref<1x300xf32, #tpu.memory_space<hbm>>
    tpu.enqueue_dma source(%dma_start3A_238 : memref<1x300xf32, #tpu.memory_space<hbm>>) target(%dma_start3A_236 : memref<1x300xf32, #tpu.memory_space<vmem>>) target_semaphore(%arg7 : memref<!tpu.dma_semaphore, #tpu.memory_space<semaphore_mem>>)
    %get3A_239 = arith.constant 16 : index
    %get3A_240 = tpu.vector_load %arg5[%get3A_239] {strides = array<i32>} : memref<32xi32, #tpu.memory_space<vmem>>, vector<16xi32>,
    %get3A_241 = vector.shape_cast %get3A_240 : vector<16xi32> to vector<16xi32>
    %slice3A_242 = vector.extract_strided_slice %get3A_241 {offsets = [0], sizes = [1], strides = [1]} : vector<16xi32> to vector<1xi32>
    %squeeze3A_243 = vector.extract %slice3A_242[0] : i32 from vector<1xi32>
    %dma_start3A_244 = arith.constant 16 : i32
    %dma_start3A_245 = arith.constant 0 : i32
    %dma_start3A_246 = tpu.memref_slice %arg6[%dma_start3A_244, %dma_start3A_245] : memref<32x300xf32, #tpu.memory_space<vmem>> -> memref<1x300xf32, #tpu.memory_space<vmem>>
    %dma_start3A_247 = arith.constant 0 : i32
    %dma_start3A_248 = tpu.memref_slice %arg3[%squeeze3A_243, %dma_start3A_247] : memref<100000x300xf32, #tpu.memory_space<hbm>> -> memref<1x300xf32, #tpu.memory_space<hbm>>
    %dma_start3A_249 = arith.constant 16 : i32
    %dma_start3A_250 = arith.constant 0 : i32
    %dma_start3A_251 = tpu.memref_slice %arg6[%dma_start3A_249, %dma_start3A_250] : memref<32x300xf32, #tpu.memory_space<vmem>> -> memref<1x300xf32, #tpu.memory_space<vmem>>
    %dma_start3A_252 = arith.constant 0 : i32
    %dma_start3A_253 = tpu.memref_slice %arg3[%squeeze3A_243, %dma_start3A_252] : memref<100000x300xf32, #tpu.memory_space<hbm>> -> memref<1x300xf32, #tpu.memory_space<hbm>>
    tpu.enqueue_dma source(%dma_start3A_253 : memref<1x300xf32, #tpu.memory_space<hbm>>) target(%dma_start3A_251 : memref<1x300xf32, #tpu.memory_space<vmem>>) target_semaphore(%arg7 : memref<!tpu.dma_semaphore, #tpu.memory_space<semaphore_mem>>)
    %get3A_254 = arith.constant 16 : index
    %get3A_255 = tpu.vector_load %arg5[%get3A_254] {strides = array<i32>} : memref<32xi32, #tpu.memory_space<vmem>>, vector<16xi32>,
    %get3A_256 = vector.shape_cast %get3A_255 : vector<16xi32> to vector<16xi32>
    %slice3A_257 = vector.extract_strided_slice %get3A_256 {offsets = [1], sizes = [1], strides = [1]} : vector<16xi32> to vector<1xi32>
    %squeeze3A_258 = vector.extract %slice3A_257[0] : i32 from vector<1xi32>
    %dma_start3A_259 = arith.constant 17 : i32
    %dma_start3A_260 = arith.constant 0 : i32
    %dma_start3A_261 = tpu.memref_slice %arg6[%dma_start3A_259, %dma_start3A_260] : memref<32x300xf32, #tpu.memory_space<vmem>> -> memref<1x300xf32, #tpu.memory_space<vmem>>
    %dma_start3A_262 = arith.constant 0 : i32
    %dma_start3A_263 = tpu.memref_slice %arg3[%squeeze3A_258, %dma_start3A_262] : memref<100000x300xf32, #tpu.memory_space<hbm>> -> memref<1x300xf32, #tpu.memory_space<hbm>>
    %dma_start3A_264 = arith.constant 17 : i32
    %dma_start3A_265 = arith.constant 0 : i32
    %dma_start3A_266 = tpu.memref_slice %arg6[%dma_start3A_264, %dma_start3A_265] : memref<32x300xf32, #tpu.memory_space<vmem>> -> memref<1x300xf32, #tpu.memory_space<vmem>>
    %dma_start3A_267 = arith.constant 0 : i32
    %dma_start3A_268 = tpu.memref_slice %arg3[%squeeze3A_258, %dma_start3A_267] : memref<100000x300xf32, #tpu.memory_space<hbm>> -> memref<1x300xf32, #tpu.memory_space<hbm>>
    tpu.enqueue_dma source(%dma_start3A_268 : memref<1x300xf32, #tpu.memory_space<hbm>>) target(%dma_start3A_266 : memref<1x300xf32, #tpu.memory_space<vmem>>) target_semaphore(%arg7 : memref<!tpu.dma_semaphore, #tpu.memory_space<semaphore_mem>>)
    %get3A_269 = arith.constant 16 : index
    %get3A_270 = tpu.vector_load %arg5[%get3A_269] {strides = array<i32>} : memref<32xi32, #tpu.memory_space<vmem>>, vector<16xi32>,
    %get3A_271 = vector.shape_cast %get3A_270 : vector<16xi32> to vector<16xi32>
    %slice3A_272 = vector.extract_strided_slice %get3A_271 {offsets = [2], sizes = [1], strides = [1]} : vector<16xi32> to vector<1xi32>
    %squeeze3A_273 = vector.extract %slice3A_272[0] : i32 from vector<1xi32>
    %dma_start3A_274 = arith.constant 18 : i32
    %dma_start3A_275 = arith.constant 0 : i32
    %dma_start3A_276 = tpu.memref_slice %arg6[%dma_start3A_274, %dma_start3A_275] : memref<32x300xf32, #tpu.memory_space<vmem>> -> memref<1x300xf32, #tpu.memory_space<vmem>>
    %dma_start3A_277 = arith.constant 0 : i32
    %dma_start3A_278 = tpu.memref_slice %arg3[%squeeze3A_273, %dma_start3A_277] : memref<100000x300xf32, #tpu.memory_space<hbm>> -> memref<1x300xf32, #tpu.memory_space<hbm>>
    %dma_start3A_279 = arith.constant 18 : i32
    %dma_start3A_280 = arith.constant 0 : i32
    %dma_start3A_281 = tpu.memref_slice %arg6[%dma_start3A_279, %dma_start3A_280] : memref<32x300xf32, #tpu.memory_space<vmem>> -> memref<1x300xf32, #tpu.memory_space<vmem>>
    %dma_start3A_282 = arith.constant 0 : i32
    %dma_start3A_283 = tpu.memref_slice %arg3[%squeeze3A_273, %dma_start3A_282] : memref<100000x300xf32, #tpu.memory_space<hbm>> -> memref<1x300xf32, #tpu.memory_space<hbm>>
    tpu.enqueue_dma source(%dma_start3A_283 : memref<1x300xf32, #tpu.memory_space<hbm>>) target(%dma_start3A_281 : memref<1x300xf32, #tpu.memory_space<vmem>>) target_semaphore(%arg7 : memref<!tpu.dma_semaphore, #tpu.memory_space<semaphore_mem>>)
    %get3A_284 = arith.constant 16 : index
    %get3A_285 = tpu.vector_load %arg5[%get3A_284] {strides = array<i32>} : memref<32xi32, #tpu.memory_space<vmem>>, vector<16xi32>,
    %get3A_286 = vector.shape_cast %get3A_285 : vector<16xi32> to vector<16xi32>
    %slice3A_287 = vector.extract_strided_slice %get3A_286 {offsets = [3], sizes = [1], strides = [1]} : vector<16xi32> to vector<1xi32>
    %squeeze3A_288 = vector.extract %slice3A_287[0] : i32 from vector<1xi32>
    %dma_start3A_289 = arith.constant 19 : i32
    %dma_start3A_290 = arith.constant 0 : i32
    %dma_start3A_291 = tpu.memref_slice %arg6[%dma_start3A_289, %dma_start3A_290] : memref<32x300xf32, #tpu.memory_space<vmem>> -> memref<1x300xf32, #tpu.memory_space<vmem>>
    %dma_start3A_292 = arith.constant 0 : i32
    %dma_start3A_293 = tpu.memref_slice %arg3[%squeeze3A_288, %dma_start3A_292] : memref<100000x300xf32, #tpu.memory_space<hbm>> -> memref<1x300xf32, #tpu.memory_space<hbm>>
    %dma_start3A_294 = arith.constant 19 : i32
    %dma_start3A_295 = arith.constant 0 : i32
    %dma_start3A_296 = tpu.memref_slice %arg6[%dma_start3A_294, %dma_start3A_295] : memref<32x300xf32, #tpu.memory_space<vmem>> -> memref<1x300xf32, #tpu.memory_space<vmem>>
    %dma_start3A_297 = arith.constant 0 : i32
    %dma_start3A_298 = tpu.memref_slice %arg3[%squeeze3A_288, %dma_start3A_297] : memref<100000x300xf32, #tpu.memory_space<hbm>> -> memref<1x300xf32, #tpu.memory_space<hbm>>
    tpu.enqueue_dma source(%dma_start3A_298 : memref<1x300xf32, #tpu.memory_space<hbm>>) target(%dma_start3A_296 : memref<1x300xf32, #tpu.memory_space<vmem>>) target_semaphore(%arg7 : memref<!tpu.dma_semaphore, #tpu.memory_space<semaphore_mem>>)
    %get3A_299 = arith.constant 16 : index
    %get3A_300 = tpu.vector_load %arg5[%get3A_299] {strides = array<i32>} : memref<32xi32, #tpu.memory_space<vmem>>, vector<16xi32>,
    %get3A_301 = vector.shape_cast %get3A_300 : vector<16xi32> to vector<16xi32>
    %slice3A_302 = vector.extract_strided_slice %get3A_301 {offsets = [4], sizes = [1], strides = [1]} : vector<16xi32> to vector<1xi32>
    %squeeze3A_303 = vector.extract %slice3A_302[0] : i32 from vector<1xi32>
    %dma_start3A_304 = arith.constant 20 : i32
    %dma_start3A_305 = arith.constant 0 : i32
    %dma_start3A_306 = tpu.memref_slice %arg6[%dma_start3A_304, %dma_start3A_305] : memref<32x300xf32, #tpu.memory_space<vmem>> -> memref<1x300xf32, #tpu.memory_space<vmem>>
    %dma_start3A_307 = arith.constant 0 : i32
    %dma_start3A_308 = tpu.memref_slice %arg3[%squeeze3A_303, %dma_start3A_307] : memref<100000x300xf32, #tpu.memory_space<hbm>> -> memref<1x300xf32, #tpu.memory_space<hbm>>
    %dma_start3A_309 = arith.constant 20 : i32
    %dma_start3A_310 = arith.constant 0 : i32
    %dma_start3A_311 = tpu.memref_slice %arg6[%dma_start3A_309, %dma_start3A_310] : memref<32x300xf32, #tpu.memory_space<vmem>> -> memref<1x300xf32, #tpu.memory_space<vmem>>
    %dma_start3A_312 = arith.constant 0 : i32
    %dma_start3A_313 = tpu.memref_slice %arg3[%squeeze3A_303, %dma_start3A_312] : memref<100000x300xf32, #tpu.memory_space<hbm>> -> memref<1x300xf32, #tpu.memory_space<hbm>>
    tpu.enqueue_dma source(%dma_start3A_313 : memref<1x300xf32, #tpu.memory_space<hbm>>) target(%dma_start3A_311 : memref<1x300xf32, #tpu.memory_space<vmem>>) target_semaphore(%arg7 : memref<!tpu.dma_semaphore, #tpu.memory_space<semaphore_mem>>)
    %get3A_314 = arith.constant 16 : index
    %get3A_315 = tpu.vector_load %arg5[%get3A_314] {strides = array<i32>} : memref<32xi32, #tpu.memory_space<vmem>>, vector<16xi32>,
    %get3A_316 = vector.shape_cast %get3A_315 : vector<16xi32> to vector<16xi32>
    %slice3A_317 = vector.extract_strided_slice %get3A_316 {offsets = [5], sizes = [1], strides = [1]} : vector<16xi32> to vector<1xi32>
    %squeeze3A_318 = vector.extract %slice3A_317[0] : i32 from vector<1xi32>
    %dma_start3A_319 = arith.constant 21 : i32
    %dma_start3A_320 = arith.constant 0 : i32
    %dma_start3A_321 = tpu.memref_slice %arg6[%dma_start3A_319, %dma_start3A_320] : memref<32x300xf32, #tpu.memory_space<vmem>> -> memref<1x300xf32, #tpu.memory_space<vmem>>
    %dma_start3A_322 = arith.constant 0 : i32
    %dma_start3A_323 = tpu.memref_slice %arg3[%squeeze3A_318, %dma_start3A_322] : memref<100000x300xf32, #tpu.memory_space<hbm>> -> memref<1x300xf32, #tpu.memory_space<hbm>>
    %dma_start3A_324 = arith.constant 21 : i32
    %dma_start3A_325 = arith.constant 0 : i32
    %dma_start3A_326 = tpu.memref_slice %arg6[%dma_start3A_324, %dma_start3A_325] : memref<32x300xf32, #tpu.memory_space<vmem>> -> memref<1x300xf32, #tpu.memory_space<vmem>>
    %dma_start3A_327 = arith.constant 0 : i32
    %dma_start3A_328 = tpu.memref_slice %arg3[%squeeze3A_318, %dma_start3A_327] : memref<100000x300xf32, #tpu.memory_space<hbm>> -> memref<1x300xf32, #tpu.memory_space<hbm>>
    tpu.enqueue_dma source(%dma_start3A_328 : memref<1x300xf32, #tpu.memory_space<hbm>>) target(%dma_start3A_326 : memref<1x300xf32, #tpu.memory_space<vmem>>) target_semaphore(%arg7 : memref<!tpu.dma_semaphore, #tpu.memory_space<semaphore_mem>>)
    %get3A_329 = arith.constant 16 : index
    %get3A_330 = tpu.vector_load %arg5[%get3A_329] {strides = array<i32>} : memref<32xi32, #tpu.memory_space<vmem>>, vector<16xi32>,
    %get3A_331 = vector.shape_cast %get3A_330 : vector<16xi32> to vector<16xi32>
    %slice3A_332 = vector.extract_strided_slice %get3A_331 {offsets = [6], sizes = [1], strides = [1]} : vector<16xi32> to vector<1xi32>
    %squeeze3A_333 = vector.extract %slice3A_332[0] : i32 from vector<1xi32>
    %dma_start3A_334 = arith.constant 22 : i32
    %dma_start3A_335 = arith.constant 0 : i32
    %dma_start3A_336 = tpu.memref_slice %arg6[%dma_start3A_334, %dma_start3A_335] : memref<32x300xf32, #tpu.memory_space<vmem>> -> memref<1x300xf32, #tpu.memory_space<vmem>>
    %dma_start3A_337 = arith.constant 0 : i32
    %dma_start3A_338 = tpu.memref_slice %arg3[%squeeze3A_333, %dma_start3A_337] : memref<100000x300xf32, #tpu.memory_space<hbm>> -> memref<1x300xf32, #tpu.memory_space<hbm>>
    %dma_start3A_339 = arith.constant 22 : i32
    %dma_start3A_340 = arith.constant 0 : i32
    %dma_start3A_341 = tpu.memref_slice %arg6[%dma_start3A_339, %dma_start3A_340] : memref<32x300xf32, #tpu.memory_space<vmem>> -> memref<1x300xf32, #tpu.memory_space<vmem>>
    %dma_start3A_342 = arith.constant 0 : i32
    %dma_start3A_343 = tpu.memref_slice %arg3[%squeeze3A_333, %dma_start3A_342] : memref<100000x300xf32, #tpu.memory_space<hbm>> -> memref<1x300xf32, #tpu.memory_space<hbm>>
    tpu.enqueue_dma source(%dma_start3A_343 : memref<1x300xf32, #tpu.memory_space<hbm>>) target(%dma_start3A_341 : memref<1x300xf32, #tpu.memory_space<vmem>>) target_semaphore(%arg7 : memref<!tpu.dma_semaphore, #tpu.memory_space<semaphore_mem>>)
    %get3A_344 = arith.constant 16 : index
    %get3A_345 = tpu.vector_load %arg5[%get3A_344] {strides = array<i32>} : memref<32xi32, #tpu.memory_space<vmem>>, vector<16xi32>,
    %get3A_346 = vector.shape_cast %get3A_345 : vector<16xi32> to vector<16xi32>
    %slice3A_347 = vector.extract_strided_slice %get3A_346 {offsets = [7], sizes = [1], strides = [1]} : vector<16xi32> to vector<1xi32>
    %squeeze3A_348 = vector.extract %slice3A_347[0] : i32 from vector<1xi32>
    %dma_start3A_349 = arith.constant 23 : i32
    %dma_start3A_350 = arith.constant 0 : i32
    %dma_start3A_351 = tpu.memref_slice %arg6[%dma_start3A_349, %dma_start3A_350] : memref<32x300xf32, #tpu.memory_space<vmem>> -> memref<1x300xf32, #tpu.memory_space<vmem>>
    %dma_start3A_352 = arith.constant 0 : i32
    %dma_start3A_353 = tpu.memref_slice %arg3[%squeeze3A_348, %dma_start3A_352] : memref<100000x300xf32, #tpu.memory_space<hbm>> -> memref<1x300xf32, #tpu.memory_space<hbm>>
    %dma_start3A_354 = arith.constant 23 : i32
    %dma_start3A_355 = arith.constant 0 : i32
    %dma_start3A_356 = tpu.memref_slice %arg6[%dma_start3A_354, %dma_start3A_355] : memref<32x300xf32, #tpu.memory_space<vmem>> -> memref<1x300xf32, #tpu.memory_space<vmem>>
    %dma_start3A_357 = arith.constant 0 : i32
    %dma_start3A_358 = tpu.memref_slice %arg3[%squeeze3A_348, %dma_start3A_357] : memref<100000x300xf32, #tpu.memory_space<hbm>> -> memref<1x300xf32, #tpu.memory_space<hbm>>
    tpu.enqueue_dma source(%dma_start3A_358 : memref<1x300xf32, #tpu.memory_space<hbm>>) target(%dma_start3A_356 : memref<1x300xf32, #tpu.memory_space<vmem>>) target_semaphore(%arg7 : memref<!tpu.dma_semaphore, #tpu.memory_space<semaphore_mem>>)
    %get3A_359 = arith.constant 16 : index
    %get3A_360 = tpu.vector_load %arg5[%get3A_359] {strides = array<i32>} : memref<32xi32, #tpu.memory_space<vmem>>, vector<16xi32>,
    %get3A_361 = vector.shape_cast %get3A_360 : vector<16xi32> to vector<16xi32>
    %slice3A_362 = vector.extract_strided_slice %get3A_361 {offsets = [8], sizes = [1], strides = [1]} : vector<16xi32> to vector<1xi32>
    %squeeze3A_363 = vector.extract %slice3A_362[0] : i32 from vector<1xi32>
    %dma_start3A_364 = arith.constant 24 : i32
    %dma_start3A_365 = arith.constant 0 : i32
    %dma_start3A_366 = tpu.memref_slice %arg6[%dma_start3A_364, %dma_start3A_365] : memref<32x300xf32, #tpu.memory_space<vmem>> -> memref<1x300xf32, #tpu.memory_space<vmem>>
    %dma_start3A_367 = arith.constant 0 : i32
    %dma_start3A_368 = tpu.memref_slice %arg3[%squeeze3A_363, %dma_start3A_367] : memref<100000x300xf32, #tpu.memory_space<hbm>> -> memref<1x300xf32, #tpu.memory_space<hbm>>
    %dma_start3A_369 = arith.constant 24 : i32
    %dma_start3A_370 = arith.constant 0 : i32
    %dma_start3A_371 = tpu.memref_slice %arg6[%dma_start3A_369, %dma_start3A_370] : memref<32x300xf32, #tpu.memory_space<vmem>> -> memref<1x300xf32, #tpu.memory_space<vmem>>
    %dma_start3A_372 = arith.constant 0 : i32
    %dma_start3A_373 = tpu.memref_slice %arg3[%squeeze3A_363, %dma_start3A_372] : memref<100000x300xf32, #tpu.memory_space<hbm>> -> memref<1x300xf32, #tpu.memory_space<hbm>>
    tpu.enqueue_dma source(%dma_start3A_373 : memref<1x300xf32, #tpu.memory_space<hbm>>) target(%dma_start3A_371 : memref<1x300xf32, #tpu.memory_space<vmem>>) target_semaphore(%arg7 : memref<!tpu.dma_semaphore, #tpu.memory_space<semaphore_mem>>)
    %get3A_374 = arith.constant 16 : index
    %get3A_375 = tpu.vector_load %arg5[%get3A_374] {strides = array<i32>} : memref<32xi32, #tpu.memory_space<vmem>>, vector<16xi32>,
    %get3A_376 = vector.shape_cast %get3A_375 : vector<16xi32> to vector<16xi32>
    %slice3A_377 = vector.extract_strided_slice %get3A_376 {offsets = [9], sizes = [1], strides = [1]} : vector<16xi32> to vector<1xi32>
    %squeeze3A_378 = vector.extract %slice3A_377[0] : i32 from vector<1xi32>
    %dma_start3A_379 = arith.constant 25 : i32
    %dma_start3A_380 = arith.constant 0 : i32
    %dma_start3A_381 = tpu.memref_slice %arg6[%dma_start3A_379, %dma_start3A_380] : memref<32x300xf32, #tpu.memory_space<vmem>> -> memref<1x300xf32, #tpu.memory_space<vmem>>
    %dma_start3A_382 = arith.constant 0 : i32
    %dma_start3A_383 = tpu.memref_slice %arg3[%squeeze3A_378, %dma_start3A_382] : memref<100000x300xf32, #tpu.memory_space<hbm>> -> memref<1x300xf32, #tpu.memory_space<hbm>>
    %dma_start3A_384 = arith.constant 25 : i32
    %dma_start3A_385 = arith.constant 0 : i32
    %dma_start3A_386 = tpu.memref_slice %arg6[%dma_start3A_384, %dma_start3A_385] : memref<32x300xf32, #tpu.memory_space<vmem>> -> memref<1x300xf32, #tpu.memory_space<vmem>>
    %dma_start3A_387 = arith.constant 0 : i32
    %dma_start3A_388 = tpu.memref_slice %arg3[%squeeze3A_378, %dma_start3A_387] : memref<100000x300xf32, #tpu.memory_space<hbm>> -> memref<1x300xf32, #tpu.memory_space<hbm>>
    tpu.enqueue_dma source(%dma_start3A_388 : memref<1x300xf32, #tpu.memory_space<hbm>>) target(%dma_start3A_386 : memref<1x300xf32, #tpu.memory_space<vmem>>) target_semaphore(%arg7 : memref<!tpu.dma_semaphore, #tpu.memory_space<semaphore_mem>>)
    %get3A_389 = arith.constant 16 : index
    %get3A_390 = tpu.vector_load %arg5[%get3A_389] {strides = array<i32>} : memref<32xi32, #tpu.memory_space<vmem>>, vector<16xi32>,
    %get3A_391 = vector.shape_cast %get3A_390 : vector<16xi32> to vector<16xi32>
    %slice3A_392 = vector.extract_strided_slice %get3A_391 {offsets = [10], sizes = [1], strides = [1]} : vector<16xi32> to vector<1xi32>
    %squeeze3A_393 = vector.extract %slice3A_392[0] : i32 from vector<1xi32>
    %dma_start3A_394 = arith.constant 26 : i32
    %dma_start3A_395 = arith.constant 0 : i32
    %dma_start3A_396 = tpu.memref_slice %arg6[%dma_start3A_394, %dma_start3A_395] : memref<32x300xf32, #tpu.memory_space<vmem>> -> memref<1x300xf32, #tpu.memory_space<vmem>>
    %dma_start3A_397 = arith.constant 0 : i32
    %dma_start3A_398 = tpu.memref_slice %arg3[%squeeze3A_393, %dma_start3A_397] : memref<100000x300xf32, #tpu.memory_space<hbm>> -> memref<1x300xf32, #tpu.memory_space<hbm>>
    %dma_start3A_399 = arith.constant 26 : i32
    %dma_start3A_400 = arith.constant 0 : i32
    %dma_start3A_401 = tpu.memref_slice %arg6[%dma_start3A_399, %dma_start3A_400] : memref<32x300xf32, #tpu.memory_space<vmem>> -> memref<1x300xf32, #tpu.memory_space<vmem>>
    %dma_start3A_402 = arith.constant 0 : i32
    %dma_start3A_403 = tpu.memref_slice %arg3[%squeeze3A_393, %dma_start3A_402] : memref<100000x300xf32, #tpu.memory_space<hbm>> -> memref<1x300xf32, #tpu.memory_space<hbm>>
    tpu.enqueue_dma source(%dma_start3A_403 : memref<1x300xf32, #tpu.memory_space<hbm>>) target(%dma_start3A_401 : memref<1x300xf32, #tpu.memory_space<vmem>>) target_semaphore(%arg7 : memref<!tpu.dma_semaphore, #tpu.memory_space<semaphore_mem>>)
    %get3A_404 = arith.constant 16 : index
    %get3A_405 = tpu.vector_load %arg5[%get3A_404] {strides = array<i32>} : memref<32xi32, #tpu.memory_space<vmem>>, vector<16xi32>,
    %get3A_406 = vector.shape_cast %get3A_405 : vector<16xi32> to vector<16xi32>
    %slice3A_407 = vector.extract_strided_slice %get3A_406 {offsets = [11], sizes = [1], strides = [1]} : vector<16xi32> to vector<1xi32>
    %squeeze3A_408 = vector.extract %slice3A_407[0] : i32 from vector<1xi32>
    %dma_start3A_409 = arith.constant 27 : i32
    %dma_start3A_410 = arith.constant 0 : i32
    %dma_start3A_411 = tpu.memref_slice %arg6[%dma_start3A_409, %dma_start3A_410] : memref<32x300xf32, #tpu.memory_space<vmem>> -> memref<1x300xf32, #tpu.memory_space<vmem>>
    %dma_start3A_412 = arith.constant 0 : i32
    %dma_start3A_413 = tpu.memref_slice %arg3[%squeeze3A_408, %dma_start3A_412] : memref<100000x300xf32, #tpu.memory_space<hbm>> -> memref<1x300xf32, #tpu.memory_space<hbm>>
    %dma_start3A_414 = arith.constant 27 : i32
    %dma_start3A_415 = arith.constant 0 : i32
    %dma_start3A_416 = tpu.memref_slice %arg6[%dma_start3A_414, %dma_start3A_415] : memref<32x300xf32, #tpu.memory_space<vmem>> -> memref<1x300xf32, #tpu.memory_space<vmem>>
    %dma_start3A_417 = arith.constant 0 : i32
    %dma_start3A_418 = tpu.memref_slice %arg3[%squeeze3A_408, %dma_start3A_417] : memref<100000x300xf32, #tpu.memory_space<hbm>> -> memref<1x300xf32, #tpu.memory_space<hbm>>
    tpu.enqueue_dma source(%dma_start3A_418 : memref<1x300xf32, #tpu.memory_space<hbm>>) target(%dma_start3A_416 : memref<1x300xf32, #tpu.memory_space<vmem>>) target_semaphore(%arg7 : memref<!tpu.dma_semaphore, #tpu.memory_space<semaphore_mem>>)
    %get3A_419 = arith.constant 16 : index
    %get3A_420 = tpu.vector_load %arg5[%get3A_419] {strides = array<i32>} : memref<32xi32, #tpu.memory_space<vmem>>, vector<16xi32>,
    %get3A_421 = vector.shape_cast %get3A_420 : vector<16xi32> to vector<16xi32>
    %slice3A_422 = vector.extract_strided_slice %get3A_421 {offsets = [12], sizes = [1], strides = [1]} : vector<16xi32> to vector<1xi32>
    %squeeze3A_423 = vector.extract %slice3A_422[0] : i32 from vector<1xi32>
    %dma_start3A_424 = arith.constant 28 : i32
    %dma_start3A_425 = arith.constant 0 : i32
    %dma_start3A_426 = tpu.memref_slice %arg6[%dma_start3A_424, %dma_start3A_425] : memref<32x300xf32, #tpu.memory_space<vmem>> -> memref<1x300xf32, #tpu.memory_space<vmem>>
    %dma_start3A_427 = arith.constant 0 : i32
    %dma_start3A_428 = tpu.memref_slice %arg3[%squeeze3A_423, %dma_start3A_427] : memref<100000x300xf32, #tpu.memory_space<hbm>> -> memref<1x300xf32, #tpu.memory_space<hbm>>
    %dma_start3A_429 = arith.constant 28 : i32
    %dma_start3A_430 = arith.constant 0 : i32
    %dma_start3A_431 = tpu.memref_slice %arg6[%dma_start3A_429, %dma_start3A_430] : memref<32x300xf32, #tpu.memory_space<vmem>> -> memref<1x300xf32, #tpu.memory_space<vmem>>
    %dma_start3A_432 = arith.constant 0 : i32
    %dma_start3A_433 = tpu.memref_slice %arg3[%squeeze3A_423, %dma_start3A_432] : memref<100000x300xf32, #tpu.memory_space<hbm>> -> memref<1x300xf32, #tpu.memory_space<hbm>>
    tpu.enqueue_dma source(%dma_start3A_433 : memref<1x300xf32, #tpu.memory_space<hbm>>) target(%dma_start3A_431 : memref<1x300xf32, #tpu.memory_space<vmem>>) target_semaphore(%arg7 : memref<!tpu.dma_semaphore, #tpu.memory_space<semaphore_mem>>)
    %get3A_434 = arith.constant 16 : index
    %get3A_435 = tpu.vector_load %arg5[%get3A_434] {strides = array<i32>} : memref<32xi32, #tpu.memory_space<vmem>>, vector<16xi32>,
    %get3A_436 = vector.shape_cast %get3A_435 : vector<16xi32> to vector<16xi32>
    %slice3A_437 = vector.extract_strided_slice %get3A_436 {offsets = [13], sizes = [1], strides = [1]} : vector<16xi32> to vector<1xi32>
    %squeeze3A_438 = vector.extract %slice3A_437[0] : i32 from vector<1xi32>
    %dma_start3A_439 = arith.constant 29 : i32
    %dma_start3A_440 = arith.constant 0 : i32
    %dma_start3A_441 = tpu.memref_slice %arg6[%dma_start3A_439, %dma_start3A_440] : memref<32x300xf32, #tpu.memory_space<vmem>> -> memref<1x300xf32, #tpu.memory_space<vmem>>
    %dma_start3A_442 = arith.constant 0 : i32
    %dma_start3A_443 = tpu.memref_slice %arg3[%squeeze3A_438, %dma_start3A_442] : memref<100000x300xf32, #tpu.memory_space<hbm>> -> memref<1x300xf32, #tpu.memory_space<hbm>>
    %dma_start3A_444 = arith.constant 29 : i32
    %dma_start3A_445 = arith.constant 0 : i32
    %dma_start3A_446 = tpu.memref_slice %arg6[%dma_start3A_444, %dma_start3A_445] : memref<32x300xf32, #tpu.memory_space<vmem>> -> memref<1x300xf32, #tpu.memory_space<vmem>>
    %dma_start3A_447 = arith.constant 0 : i32
    %dma_start3A_448 = tpu.memref_slice %arg3[%squeeze3A_438, %dma_start3A_447] : memref<100000x300xf32, #tpu.memory_space<hbm>> -> memref<1x300xf32, #tpu.memory_space<hbm>>
    tpu.enqueue_dma source(%dma_start3A_448 : memref<1x300xf32, #tpu.memory_space<hbm>>) target(%dma_start3A_446 : memref<1x300xf32, #tpu.memory_space<vmem>>) target_semaphore(%arg7 : memref<!tpu.dma_semaphore, #tpu.memory_space<semaphore_mem>>)
    %get3A_449 = arith.constant 16 : index
    %get3A_450 = tpu.vector_load %arg5[%get3A_449] {strides = array<i32>} : memref<32xi32, #tpu.memory_space<vmem>>, vector<16xi32>,
    %get3A_451 = vector.shape_cast %get3A_450 : vector<16xi32> to vector<16xi32>
    %slice3A_452 = vector.extract_strided_slice %get3A_451 {offsets = [14], sizes = [1], strides = [1]} : vector<16xi32> to vector<1xi32>
    %squeeze3A_453 = vector.extract %slice3A_452[0] : i32 from vector<1xi32>
    %dma_start3A_454 = arith.constant 30 : i32
    %dma_start3A_455 = arith.constant 0 : i32
    %dma_start3A_456 = tpu.memref_slice %arg6[%dma_start3A_454, %dma_start3A_455] : memref<32x300xf32, #tpu.memory_space<vmem>> -> memref<1x300xf32, #tpu.memory_space<vmem>>
    %dma_start3A_457 = arith.constant 0 : i32
    %dma_start3A_458 = tpu.memref_slice %arg3[%squeeze3A_453, %dma_start3A_457] : memref<100000x300xf32, #tpu.memory_space<hbm>> -> memref<1x300xf32, #tpu.memory_space<hbm>>
    %dma_start3A_459 = arith.constant 30 : i32
    %dma_start3A_460 = arith.constant 0 : i32
    %dma_start3A_461 = tpu.memref_slice %arg6[%dma_start3A_459, %dma_start3A_460] : memref<32x300xf32, #tpu.memory_space<vmem>> -> memref<1x300xf32, #tpu.memory_space<vmem>>
    %dma_start3A_462 = arith.constant 0 : i32
    %dma_start3A_463 = tpu.memref_slice %arg3[%squeeze3A_453, %dma_start3A_462] : memref<100000x300xf32, #tpu.memory_space<hbm>> -> memref<1x300xf32, #tpu.memory_space<hbm>>
    tpu.enqueue_dma source(%dma_start3A_463 : memref<1x300xf32, #tpu.memory_space<hbm>>) target(%dma_start3A_461 : memref<1x300xf32, #tpu.memory_space<vmem>>) target_semaphore(%arg7 : memref<!tpu.dma_semaphore, #tpu.memory_space<semaphore_mem>>)
    %get3A_464 = arith.constant 16 : index
    %get3A_465 = tpu.vector_load %arg5[%get3A_464] {strides = array<i32>} : memref<32xi32, #tpu.memory_space<vmem>>, vector<16xi32>,
    %get3A_466 = vector.shape_cast %get3A_465 : vector<16xi32> to vector<16xi32>
    %slice3A_467 = vector.extract_strided_slice %get3A_466 {offsets = [15], sizes = [1], strides = [1]} : vector<16xi32> to vector<1xi32>
    %squeeze3A_468 = vector.extract %slice3A_467[0] : i32 from vector<1xi32>
    %dma_start3A_469 = arith.constant 31 : i32
    %dma_start3A_470 = arith.constant 0 : i32
    %dma_start3A_471 = tpu.memref_slice %arg6[%dma_start3A_469, %dma_start3A_470] : memref<32x300xf32, #tpu.memory_space<vmem>> -> memref<1x300xf32, #tpu.memory_space<vmem>>
    %dma_start3A_472 = arith.constant 0 : i32
    %dma_start3A_473 = tpu.memref_slice %arg3[%squeeze3A_468, %dma_start3A_472] : memref<100000x300xf32, #tpu.memory_space<hbm>> -> memref<1x300xf32, #tpu.memory_space<hbm>>
    %dma_start3A_474 = arith.constant 31 : i32
    %dma_start3A_475 = arith.constant 0 : i32
    %dma_start3A_476 = tpu.memref_slice %arg6[%dma_start3A_474, %dma_start3A_475] : memref<32x300xf32, #tpu.memory_space<vmem>> -> memref<1x300xf32, #tpu.memory_space<vmem>>
    %dma_start3A_477 = arith.constant 0 : i32
    %dma_start3A_478 = tpu.memref_slice %arg3[%squeeze3A_468, %dma_start3A_477] : memref<100000x300xf32, #tpu.memory_space<hbm>> -> memref<1x300xf32, #tpu.memory_space<hbm>>
    tpu.enqueue_dma source(%dma_start3A_478 : memref<1x300xf32, #tpu.memory_space<hbm>>) target(%dma_start3A_476 : memref<1x300xf32, #tpu.memory_space<vmem>>) target_semaphore(%arg7 : memref<!tpu.dma_semaphore, #tpu.memory_space<semaphore_mem>>)
    %dma_wait3A = arith.constant 0 : i32
    %dma_wait3A_479 = arith.constant 0 : i32
    %dma_wait3A_480 = tpu.memref_slice %arg6[%dma_wait3A, %dma_wait3A_479] : memref<32x300xf32, #tpu.memory_space<vmem>> -> memref<1x300xf32, #tpu.memory_space<vmem>>
    %dma_wait3A_481 = arith.constant 0 : i32
    %dma_wait3A_482 = arith.constant 0 : i32
    %dma_wait3A_483 = tpu.memref_slice %arg3[%dma_wait3A_481, %dma_wait3A_482] : memref<100000x300xf32, #tpu.memory_space<hbm>> -> memref<1x300xf32, #tpu.memory_space<hbm>>
    %dma_wait3A_484 = arith.constant 0 : i32
    %dma_wait3A_485 = arith.constant 0 : i32
    %dma_wait3A_486 = tpu.memref_slice %arg6[%dma_wait3A_484, %dma_wait3A_485] : memref<32x300xf32, #tpu.memory_space<vmem>> -> memref<1x300xf32, #tpu.memory_space<vmem>>
    %dma_wait3A_487 = arith.constant 0 : i32
    %dma_wait3A_488 = arith.constant 0 : i32
    %dma_wait3A_489 = tpu.memref_slice %arg3[%dma_wait3A_487, %dma_wait3A_488] : memref<100000x300xf32, #tpu.memory_space<hbm>> -> memref<1x300xf32, #tpu.memory_space<hbm>>
    tpu.wait_dma2 semaphore(%arg7 : memref<!tpu.dma_semaphore, #tpu.memory_space<semaphore_mem>>) src(%dma_wait3A_489 : memref<1x300xf32, #tpu.memory_space<hbm>>) dst(%dma_wait3A_486 : memref<1x300xf32, #tpu.memory_space<vmem>>)
    %dma_wait3A_490 = arith.constant 1 : i32
    %dma_wait3A_491 = arith.constant 0 : i32
    %dma_wait3A_492 = tpu.memref_slice %arg6[%dma_wait3A_490, %dma_wait3A_491] : memref<32x300xf32, #tpu.memory_space<vmem>> -> memref<1x300xf32, #tpu.memory_space<vmem>>
    %dma_wait3A_493 = arith.constant 0 : i32
    %dma_wait3A_494 = arith.constant 0 : i32
    %dma_wait3A_495 = tpu.memref_slice %arg3[%dma_wait3A_493, %dma_wait3A_494] : memref<100000x300xf32, #tpu.memory_space<hbm>> -> memref<1x300xf32, #tpu.memory_space<hbm>>
    %dma_wait3A_496 = arith.constant 1 : i32
    %dma_wait3A_497 = arith.constant 0 : i32
    %dma_wait3A_498 = tpu.memref_slice %arg6[%dma_wait3A_496, %dma_wait3A_497] : memref<32x300xf32, #tpu.memory_space<vmem>> -> memref<1x300xf32, #tpu.memory_space<vmem>>
    %dma_wait3A_499 = arith.constant 0 : i32
    %dma_wait3A_500 = arith.constant 0 : i32
    %dma_wait3A_501 = tpu.memref_slice %arg3[%dma_wait3A_499, %dma_wait3A_500] : memref<100000x300xf32, #tpu.memory_space<hbm>> -> memref<1x300xf32, #tpu.memory_space<hbm>>
    tpu.wait_dma2 semaphore(%arg7 : memref<!tpu.dma_semaphore, #tpu.memory_space<semaphore_mem>>) src(%dma_wait3A_501 : memref<1x300xf32, #tpu.memory_space<hbm>>) dst(%dma_wait3A_498 : memref<1x300xf32, #tpu.memory_space<vmem>>)
    %dma_wait3A_502 = arith.constant 2 : i32
    %dma_wait3A_503 = arith.constant 0 : i32
    %dma_wait3A_504 = tpu.memref_slice %arg6[%dma_wait3A_502, %dma_wait3A_503] : memref<32x300xf32, #tpu.memory_space<vmem>> -> memref<1x300xf32, #tpu.memory_space<vmem>>
    %dma_wait3A_505 = arith.constant 0 : i32
    %dma_wait3A_506 = arith.constant 0 : i32
    %dma_wait3A_507 = tpu.memref_slice %arg3[%dma_wait3A_505, %dma_wait3A_506] : memref<100000x300xf32, #tpu.memory_space<hbm>> -> memref<1x300xf32, #tpu.memory_space<hbm>>
    %dma_wait3A_508 = arith.constant 2 : i32
    %dma_wait3A_509 = arith.constant 0 : i32
    %dma_wait3A_510 = tpu.memref_slice %arg6[%dma_wait3A_508, %dma_wait3A_509] : memref<32x300xf32, #tpu.memory_space<vmem>> -> memref<1x300xf32, #tpu.memory_space<vmem>>
    %dma_wait3A_511 = arith.constant 0 : i32
    %dma_wait3A_512 = arith.constant 0 : i32
    %dma_wait3A_513 = tpu.memref_slice %arg3[%dma_wait3A_511, %dma_wait3A_512] : memref<100000x300xf32, #tpu.memory_space<hbm>> -> memref<1x300xf32, #tpu.memory_space<hbm>>
    tpu.wait_dma2 semaphore(%arg7 : memref<!tpu.dma_semaphore, #tpu.memory_space<semaphore_mem>>) src(%dma_wait3A_513 : memref<1x300xf32, #tpu.memory_space<hbm>>) dst(%dma_wait3A_510 : memref<1x300xf32, #tpu.memory_space<vmem>>)
    %dma_wait3A_514 = arith.constant 3 : i32
    %dma_wait3A_515 = arith.constant 0 : i32
    %dma_wait3A_516 = tpu.memref_slice %arg6[%dma_wait3A_514, %dma_wait3A_515] : memref<32x300xf32, #tpu.memory_space<vmem>> -> memref<1x300xf32, #tpu.memory_space<vmem>>
    %dma_wait3A_517 = arith.constant 0 : i32
    %dma_wait3A_518 = arith.constant 0 : i32
    %dma_wait3A_519 = tpu.memref_slice %arg3[%dma_wait3A_517, %dma_wait3A_518] : memref<100000x300xf32, #tpu.memory_space<hbm>> -> memref<1x300xf32, #tpu.memory_space<hbm>>
    %dma_wait3A_520 = arith.constant 3 : i32
    %dma_wait3A_521 = arith.constant 0 : i32
    %dma_wait3A_522 = tpu.memref_slice %arg6[%dma_wait3A_520, %dma_wait3A_521] : memref<32x300xf32, #tpu.memory_space<vmem>> -> memref<1x300xf32, #tpu.memory_space<vmem>>
    %dma_wait3A_523 = arith.constant 0 : i32
    %dma_wait3A_524 = arith.constant 0 : i32
    %dma_wait3A_525 = tpu.memref_slice %arg3[%dma_wait3A_523, %dma_wait3A_524] : memref<100000x300xf32, #tpu.memory_space<hbm>> -> memref<1x300xf32, #tpu.memory_space<hbm>>
    tpu.wait_dma2 semaphore(%arg7 : memref<!tpu.dma_semaphore, #tpu.memory_space<semaphore_mem>>) src(%dma_wait3A_525 : memref<1x300xf32, #tpu.memory_space<hbm>>) dst(%dma_wait3A_522 : memref<1x300xf32, #tpu.memory_space<vmem>>)
    %dma_wait3A_526 = arith.constant 4 : i32
    %dma_wait3A_527 = arith.constant 0 : i32
    %dma_wait3A_528 = tpu.memref_slice %arg6[%dma_wait3A_526, %dma_wait3A_527] : memref<32x300xf32, #tpu.memory_space<vmem>> -> memref<1x300xf32, #tpu.memory_space<vmem>>
    %dma_wait3A_529 = arith.constant 0 : i32
    %dma_wait3A_530 = arith.constant 0 : i32
    %dma_wait3A_531 = tpu.memref_slice %arg3[%dma_wait3A_529, %dma_wait3A_530] : memref<100000x300xf32, #tpu.memory_space<hbm>> -> memref<1x300xf32, #tpu.memory_space<hbm>>
    %dma_wait3A_532 = arith.constant 4 : i32
    %dma_wait3A_533 = arith.constant 0 : i32
    %dma_wait3A_534 = tpu.memref_slice %arg6[%dma_wait3A_532, %dma_wait3A_533] : memref<32x300xf32, #tpu.memory_space<vmem>> -> memref<1x300xf32, #tpu.memory_space<vmem>>
    %dma_wait3A_535 = arith.constant 0 : i32
    %dma_wait3A_536 = arith.constant 0 : i32
    %dma_wait3A_537 = tpu.memref_slice %arg3[%dma_wait3A_535, %dma_wait3A_536] : memref<100000x300xf32, #tpu.memory_space<hbm>> -> memref<1x300xf32, #tpu.memory_space<hbm>>
    tpu.wait_dma2 semaphore(%arg7 : memref<!tpu.dma_semaphore, #tpu.memory_space<semaphore_mem>>) src(%dma_wait3A_537 : memref<1x300xf32, #tpu.memory_space<hbm>>) dst(%dma_wait3A_534 : memref<1x300xf32, #tpu.memory_space<vmem>>)
    %dma_wait3A_538 = arith.constant 5 : i32
    %dma_wait3A_539 = arith.constant 0 : i32
    %dma_wait3A_540 = tpu.memref_slice %arg6[%dma_wait3A_538, %dma_wait3A_539] : memref<32x300xf32, #tpu.memory_space<vmem>> -> memref<1x300xf32, #tpu.memory_space<vmem>>
    %dma_wait3A_541 = arith.constant 0 : i32
    %dma_wait3A_542 = arith.constant 0 : i32
    %dma_wait3A_543 = tpu.memref_slice %arg3[%dma_wait3A_541, %dma_wait3A_542] : memref<100000x300xf32, #tpu.memory_space<hbm>> -> memref<1x300xf32, #tpu.memory_space<hbm>>
    %dma_wait3A_544 = arith.constant 5 : i32
    %dma_wait3A_545 = arith.constant 0 : i32
    %dma_wait3A_546 = tpu.memref_slice %arg6[%dma_wait3A_544, %dma_wait3A_545] : memref<32x300xf32, #tpu.memory_space<vmem>> -> memref<1x300xf32, #tpu.memory_space<vmem>>
    %dma_wait3A_547 = arith.constant 0 : i32
    %dma_wait3A_548 = arith.constant 0 : i32
    %dma_wait3A_549 = tpu.memref_slice %arg3[%dma_wait3A_547, %dma_wait3A_548] : memref<100000x300xf32, #tpu.memory_space<hbm>> -> memref<1x300xf32, #tpu.memory_space<hbm>>
    tpu.wait_dma2 semaphore(%arg7 : memref<!tpu.dma_semaphore, #tpu.memory_space<semaphore_mem>>) src(%dma_wait3A_549 : memref<1x300xf32, #tpu.memory_space<hbm>>) dst(%dma_wait3A_546 : memref<1x300xf32, #tpu.memory_space<vmem>>)
    %dma_wait3A_550 = arith.constant 6 : i32
    %dma_wait3A_551 = arith.constant 0 : i32
    %dma_wait3A_552 = tpu.memref_slice %arg6[%dma_wait3A_550, %dma_wait3A_551] : memref<32x300xf32, #tpu.memory_space<vmem>> -> memref<1x300xf32, #tpu.memory_space<vmem>>
    %dma_wait3A_553 = arith.constant 0 : i32
    %dma_wait3A_554 = arith.constant 0 : i32
    %dma_wait3A_555 = tpu.memref_slice %arg3[%dma_wait3A_553, %dma_wait3A_554] : memref<100000x300xf32, #tpu.memory_space<hbm>> -> memref<1x300xf32, #tpu.memory_space<hbm>>
    %dma_wait3A_556 = arith.constant 6 : i32
    %dma_wait3A_557 = arith.constant 0 : i32
    %dma_wait3A_558 = tpu.memref_slice %arg6[%dma_wait3A_556, %dma_wait3A_557] : memref<32x300xf32, #tpu.memory_space<vmem>> -> memref<1x300xf32, #tpu.memory_space<vmem>>
    %dma_wait3A_559 = arith.constant 0 : i32
    %dma_wait3A_560 = arith.constant 0 : i32
    %dma_wait3A_561 = tpu.memref_slice %arg3[%dma_wait3A_559, %dma_wait3A_560] : memref<100000x300xf32, #tpu.memory_space<hbm>> -> memref<1x300xf32, #tpu.memory_space<hbm>>
    tpu.wait_dma2 semaphore(%arg7 : memref<!tpu.dma_semaphore, #tpu.memory_space<semaphore_mem>>) src(%dma_wait3A_561 : memref<1x300xf32, #tpu.memory_space<hbm>>) dst(%dma_wait3A_558 : memref<1x300xf32, #tpu.memory_space<vmem>>)
    %dma_wait3A_562 = arith.constant 7 : i32
    %dma_wait3A_563 = arith.constant 0 : i32
    %dma_wait3A_564 = tpu.memref_slice %arg6[%dma_wait3A_562, %dma_wait3A_563] : memref<32x300xf32, #tpu.memory_space<vmem>> -> memref<1x300xf32, #tpu.memory_space<vmem>>
    %dma_wait3A_565 = arith.constant 0 : i32
    %dma_wait3A_566 = arith.constant 0 : i32
    %dma_wait3A_567 = tpu.memref_slice %arg3[%dma_wait3A_565, %dma_wait3A_566] : memref<100000x300xf32, #tpu.memory_space<hbm>> -> memref<1x300xf32, #tpu.memory_space<hbm>>
    %dma_wait3A_568 = arith.constant 7 : i32
    %dma_wait3A_569 = arith.constant 0 : i32
    %dma_wait3A_570 = tpu.memref_slice %arg6[%dma_wait3A_568, %dma_wait3A_569] : memref<32x300xf32, #tpu.memory_space<vmem>> -> memref<1x300xf32, #tpu.memory_space<vmem>>
    %dma_wait3A_571 = arith.constant 0 : i32
    %dma_wait3A_572 = arith.constant 0 : i32
    %dma_wait3A_573 = tpu.memref_slice %arg3[%dma_wait3A_571, %dma_wait3A_572] : memref<100000x300xf32, #tpu.memory_space<hbm>> -> memref<1x300xf32, #tpu.memory_space<hbm>>
    tpu.wait_dma2 semaphore(%arg7 : memref<!tpu.dma_semaphore, #tpu.memory_space<semaphore_mem>>) src(%dma_wait3A_573 : memref<1x300xf32, #tpu.memory_space<hbm>>) dst(%dma_wait3A_570 : memref<1x300xf32, #tpu.memory_space<vmem>>)
    %dma_wait3A_574 = arith.constant 8 : i32
    %dma_wait3A_575 = arith.constant 0 : i32
    %dma_wait3A_576 = tpu.memref_slice %arg6[%dma_wait3A_574, %dma_wait3A_575] : memref<32x300xf32, #tpu.memory_space<vmem>> -> memref<1x300xf32, #tpu.memory_space<vmem>>
    %dma_wait3A_577 = arith.constant 0 : i32
    %dma_wait3A_578 = arith.constant 0 : i32
    %dma_wait3A_579 = tpu.memref_slice %arg3[%dma_wait3A_577, %dma_wait3A_578] : memref<100000x300xf32, #tpu.memory_space<hbm>> -> memref<1x300xf32, #tpu.memory_space<hbm>>
    %dma_wait3A_580 = arith.constant 8 : i32
    %dma_wait3A_581 = arith.constant 0 : i32
    %dma_wait3A_582 = tpu.memref_slice %arg6[%dma_wait3A_580, %dma_wait3A_581] : memref<32x300xf32, #tpu.memory_space<vmem>> -> memref<1x300xf32, #tpu.memory_space<vmem>>
    %dma_wait3A_583 = arith.constant 0 : i32
    %dma_wait3A_584 = arith.constant 0 : i32
    %dma_wait3A_585 = tpu.memref_slice %arg3[%dma_wait3A_583, %dma_wait3A_584] : memref<100000x300xf32, #tpu.memory_space<hbm>> -> memref<1x300xf32, #tpu.memory_space<hbm>>
    tpu.wait_dma2 semaphore(%arg7 : memref<!tpu.dma_semaphore, #tpu.memory_space<semaphore_mem>>) src(%dma_wait3A_585 : memref<1x300xf32, #tpu.memory_space<hbm>>) dst(%dma_wait3A_582 : memref<1x300xf32, #tpu.memory_space<vmem>>)
    %dma_wait3A_586 = arith.constant 9 : i32
    %dma_wait3A_587 = arith.constant 0 : i32
    %dma_wait3A_588 = tpu.memref_slice %arg6[%dma_wait3A_586, %dma_wait3A_587] : memref<32x300xf32, #tpu.memory_space<vmem>> -> memref<1x300xf32, #tpu.memory_space<vmem>>
    %dma_wait3A_589 = arith.constant 0 : i32
    %dma_wait3A_590 = arith.constant 0 : i32
    %dma_wait3A_591 = tpu.memref_slice %arg3[%dma_wait3A_589, %dma_wait3A_590] : memref<100000x300xf32, #tpu.memory_space<hbm>> -> memref<1x300xf32, #tpu.memory_space<hbm>>
    %dma_wait3A_592 = arith.constant 9 : i32
    %dma_wait3A_593 = arith.constant 0 : i32
    %dma_wait3A_594 = tpu.memref_slice %arg6[%dma_wait3A_592, %dma_wait3A_593] : memref<32x300xf32, #tpu.memory_space<vmem>> -> memref<1x300xf32, #tpu.memory_space<vmem>>
    %dma_wait3A_595 = arith.constant 0 : i32
    %dma_wait3A_596 = arith.constant 0 : i32
    %dma_wait3A_597 = tpu.memref_slice %arg3[%dma_wait3A_595, %dma_wait3A_596] : memref<100000x300xf32, #tpu.memory_space<hbm>> -> memref<1x300xf32, #tpu.memory_space<hbm>>
    tpu.wait_dma2 semaphore(%arg7 : memref<!tpu.dma_semaphore, #tpu.memory_space<semaphore_mem>>) src(%dma_wait3A_597 : memref<1x300xf32, #tpu.memory_space<hbm>>) dst(%dma_wait3A_594 : memref<1x300xf32, #tpu.memory_space<vmem>>)
    %dma_wait3A_598 = arith.constant 10 : i32
    %dma_wait3A_599 = arith.constant 0 : i32
    %dma_wait3A_600 = tpu.memref_slice %arg6[%dma_wait3A_598, %dma_wait3A_599] : memref<32x300xf32, #tpu.memory_space<vmem>> -> memref<1x300xf32, #tpu.memory_space<vmem>>
    %dma_wait3A_601 = arith.constant 0 : i32
    %dma_wait3A_602 = arith.constant 0 : i32
    %dma_wait3A_603 = tpu.memref_slice %arg3[%dma_wait3A_601, %dma_wait3A_602] : memref<100000x300xf32, #tpu.memory_space<hbm>> -> memref<1x300xf32, #tpu.memory_space<hbm>>
    %dma_wait3A_604 = arith.constant 10 : i32
    %dma_wait3A_605 = arith.constant 0 : i32
    %dma_wait3A_606 = tpu.memref_slice %arg6[%dma_wait3A_604, %dma_wait3A_605] : memref<32x300xf32, #tpu.memory_space<vmem>> -> memref<1x300xf32, #tpu.memory_space<vmem>>
    %dma_wait3A_607 = arith.constant 0 : i32
    %dma_wait3A_608 = arith.constant 0 : i32
    %dma_wait3A_609 = tpu.memref_slice %arg3[%dma_wait3A_607, %dma_wait3A_608] : memref<100000x300xf32, #tpu.memory_space<hbm>> -> memref<1x300xf32, #tpu.memory_space<hbm>>
    tpu.wait_dma2 semaphore(%arg7 : memref<!tpu.dma_semaphore, #tpu.memory_space<semaphore_mem>>) src(%dma_wait3A_609 : memref<1x300xf32, #tpu.memory_space<hbm>>) dst(%dma_wait3A_606 : memref<1x300xf32, #tpu.memory_space<vmem>>)
    %dma_wait3A_610 = arith.constant 11 : i32
    %dma_wait3A_611 = arith.constant 0 : i32
    %dma_wait3A_612 = tpu.memref_slice %arg6[%dma_wait3A_610, %dma_wait3A_611] : memref<32x300xf32, #tpu.memory_space<vmem>> -> memref<1x300xf32, #tpu.memory_space<vmem>>
    %dma_wait3A_613 = arith.constant 0 : i32
    %dma_wait3A_614 = arith.constant 0 : i32
    %dma_wait3A_615 = tpu.memref_slice %arg3[%dma_wait3A_613, %dma_wait3A_614] : memref<100000x300xf32, #tpu.memory_space<hbm>> -> memref<1x300xf32, #tpu.memory_space<hbm>>
    %dma_wait3A_616 = arith.constant 11 : i32
    %dma_wait3A_617 = arith.constant 0 : i32
    %dma_wait3A_618 = tpu.memref_slice %arg6[%dma_wait3A_616, %dma_wait3A_617] : memref<32x300xf32, #tpu.memory_space<vmem>> -> memref<1x300xf32, #tpu.memory_space<vmem>>
    %dma_wait3A_619 = arith.constant 0 : i32
    %dma_wait3A_620 = arith.constant 0 : i32
    %dma_wait3A_621 = tpu.memref_slice %arg3[%dma_wait3A_619, %dma_wait3A_620] : memref<100000x300xf32, #tpu.memory_space<hbm>> -> memref<1x300xf32, #tpu.memory_space<hbm>>
    tpu.wait_dma2 semaphore(%arg7 : memref<!tpu.dma_semaphore, #tpu.memory_space<semaphore_mem>>) src(%dma_wait3A_621 : memref<1x300xf32, #tpu.memory_space<hbm>>) dst(%dma_wait3A_618 : memref<1x300xf32, #tpu.memory_space<vmem>>)
    %dma_wait3A_622 = arith.constant 12 : i32
    %dma_wait3A_623 = arith.constant 0 : i32
    %dma_wait3A_624 = tpu.memref_slice %arg6[%dma_wait3A_622, %dma_wait3A_623] : memref<32x300xf32, #tpu.memory_space<vmem>> -> memref<1x300xf32, #tpu.memory_space<vmem>>
    %dma_wait3A_625 = arith.constant 0 : i32
    %dma_wait3A_626 = arith.constant 0 : i32
    %dma_wait3A_627 = tpu.memref_slice %arg3[%dma_wait3A_625, %dma_wait3A_626] : memref<100000x300xf32, #tpu.memory_space<hbm>> -> memref<1x300xf32, #tpu.memory_space<hbm>>
    %dma_wait3A_628 = arith.constant 12 : i32
    %dma_wait3A_629 = arith.constant 0 : i32
    %dma_wait3A_630 = tpu.memref_slice %arg6[%dma_wait3A_628, %dma_wait3A_629] : memref<32x300xf32, #tpu.memory_space<vmem>> -> memref<1x300xf32, #tpu.memory_space<vmem>>
    %dma_wait3A_631 = arith.constant 0 : i32
    %dma_wait3A_632 = arith.constant 0 : i32
    %dma_wait3A_633 = tpu.memref_slice %arg3[%dma_wait3A_631, %dma_wait3A_632] : memref<100000x300xf32, #tpu.memory_space<hbm>> -> memref<1x300xf32, #tpu.memory_space<hbm>>
    tpu.wait_dma2 semaphore(%arg7 : memref<!tpu.dma_semaphore, #tpu.memory_space<semaphore_mem>>) src(%dma_wait3A_633 : memref<1x300xf32, #tpu.memory_space<hbm>>) dst(%dma_wait3A_630 : memref<1x300xf32, #tpu.memory_space<vmem>>)
    %dma_wait3A_634 = arith.constant 13 : i32
    %dma_wait3A_635 = arith.constant 0 : i32
    %dma_wait3A_636 = tpu.memref_slice %arg6[%dma_wait3A_634, %dma_wait3A_635] : memref<32x300xf32, #tpu.memory_space<vmem>> -> memref<1x300xf32, #tpu.memory_space<vmem>>
    %dma_wait3A_637 = arith.constant 0 : i32
    %dma_wait3A_638 = arith.constant 0 : i32
    %dma_wait3A_639 = tpu.memref_slice %arg3[%dma_wait3A_637, %dma_wait3A_638] : memref<100000x300xf32, #tpu.memory_space<hbm>> -> memref<1x300xf32, #tpu.memory_space<hbm>>
    %dma_wait3A_640 = arith.constant 13 : i32
    %dma_wait3A_641 = arith.constant 0 : i32
    %dma_wait3A_642 = tpu.memref_slice %arg6[%dma_wait3A_640, %dma_wait3A_641] : memref<32x300xf32, #tpu.memory_space<vmem>> -> memref<1x300xf32, #tpu.memory_space<vmem>>
    %dma_wait3A_643 = arith.constant 0 : i32
    %dma_wait3A_644 = arith.constant 0 : i32
    %dma_wait3A_645 = tpu.memref_slice %arg3[%dma_wait3A_643, %dma_wait3A_644] : memref<100000x300xf32, #tpu.memory_space<hbm>> -> memref<1x300xf32, #tpu.memory_space<hbm>>
    tpu.wait_dma2 semaphore(%arg7 : memref<!tpu.dma_semaphore, #tpu.memory_space<semaphore_mem>>) src(%dma_wait3A_645 : memref<1x300xf32, #tpu.memory_space<hbm>>) dst(%dma_wait3A_642 : memref<1x300xf32, #tpu.memory_space<vmem>>)
    %dma_wait3A_646 = arith.constant 14 : i32
    %dma_wait3A_647 = arith.constant 0 : i32
    %dma_wait3A_648 = tpu.memref_slice %arg6[%dma_wait3A_646, %dma_wait3A_647] : memref<32x300xf32, #tpu.memory_space<vmem>> -> memref<1x300xf32, #tpu.memory_space<vmem>>
    %dma_wait3A_649 = arith.constant 0 : i32
    %dma_wait3A_650 = arith.constant 0 : i32
    %dma_wait3A_651 = tpu.memref_slice %arg3[%dma_wait3A_649, %dma_wait3A_650] : memref<100000x300xf32, #tpu.memory_space<hbm>> -> memref<1x300xf32, #tpu.memory_space<hbm>>
    %dma_wait3A_652 = arith.constant 14 : i32
    %dma_wait3A_653 = arith.constant 0 : i32
    %dma_wait3A_654 = tpu.memref_slice %arg6[%dma_wait3A_652, %dma_wait3A_653] : memref<32x300xf32, #tpu.memory_space<vmem>> -> memref<1x300xf32, #tpu.memory_space<vmem>>
    %dma_wait3A_655 = arith.constant 0 : i32
    %dma_wait3A_656 = arith.constant 0 : i32
    %dma_wait3A_657 = tpu.memref_slice %arg3[%dma_wait3A_655, %dma_wait3A_656] : memref<100000x300xf32, #tpu.memory_space<hbm>> -> memref<1x300xf32, #tpu.memory_space<hbm>>
    tpu.wait_dma2 semaphore(%arg7 : memref<!tpu.dma_semaphore, #tpu.memory_space<semaphore_mem>>) src(%dma_wait3A_657 : memref<1x300xf32, #tpu.memory_space<hbm>>) dst(%dma_wait3A_654 : memref<1x300xf32, #tpu.memory_space<vmem>>)
    %dma_wait3A_658 = arith.constant 15 : i32
    %dma_wait3A_659 = arith.constant 0 : i32
    %dma_wait3A_660 = tpu.memref_slice %arg6[%dma_wait3A_658, %dma_wait3A_659] : memref<32x300xf32, #tpu.memory_space<vmem>> -> memref<1x300xf32, #tpu.memory_space<vmem>>
    %dma_wait3A_661 = arith.constant 0 : i32
    %dma_wait3A_662 = arith.constant 0 : i32
    %dma_wait3A_663 = tpu.memref_slice %arg3[%dma_wait3A_661, %dma_wait3A_662] : memref<100000x300xf32, #tpu.memory_space<hbm>> -> memref<1x300xf32, #tpu.memory_space<hbm>>
    %dma_wait3A_664 = arith.constant 15 : i32
    %dma_wait3A_665 = arith.constant 0 : i32
    %dma_wait3A_666 = tpu.memref_slice %arg6[%dma_wait3A_664, %dma_wait3A_665] : memref<32x300xf32, #tpu.memory_space<vmem>> -> memref<1x300xf32, #tpu.memory_space<vmem>>
    %dma_wait3A_667 = arith.constant 0 : i32
    %dma_wait3A_668 = arith.constant 0 : i32
    %dma_wait3A_669 = tpu.memref_slice %arg3[%dma_wait3A_667, %dma_wait3A_668] : memref<100000x300xf32, #tpu.memory_space<hbm>> -> memref<1x300xf32, #tpu.memory_space<hbm>>
    tpu.wait_dma2 semaphore(%arg7 : memref<!tpu.dma_semaphore, #tpu.memory_space<semaphore_mem>>) src(%dma_wait3A_669 : memref<1x300xf32, #tpu.memory_space<hbm>>) dst(%dma_wait3A_666 : memref<1x300xf32, #tpu.memory_space<vmem>>)
    %dma_wait3A_670 = arith.constant 16 : i32
    %dma_wait3A_671 = arith.constant 0 : i32
    %dma_wait3A_672 = tpu.memref_slice %arg6[%dma_wait3A_670, %dma_wait3A_671] : memref<32x300xf32, #tpu.memory_space<vmem>> -> memref<1x300xf32, #tpu.memory_space<vmem>>
    %dma_wait3A_673 = arith.constant 0 : i32
    %dma_wait3A_674 = arith.constant 0 : i32
    %dma_wait3A_675 = tpu.memref_slice %arg3[%dma_wait3A_673, %dma_wait3A_674] : memref<100000x300xf32, #tpu.memory_space<hbm>> -> memref<1x300xf32, #tpu.memory_space<hbm>>
    %dma_wait3A_676 = arith.constant 16 : i32
    %dma_wait3A_677 = arith.constant 0 : i32
    %dma_wait3A_678 = tpu.memref_slice %arg6[%dma_wait3A_676, %dma_wait3A_677] : memref<32x300xf32, #tpu.memory_space<vmem>> -> memref<1x300xf32, #tpu.memory_space<vmem>>
    %dma_wait3A_679 = arith.constant 0 : i32
    %dma_wait3A_680 = arith.constant 0 : i32
    %dma_wait3A_681 = tpu.memref_slice %arg3[%dma_wait3A_679, %dma_wait3A_680] : memref<100000x300xf32, #tpu.memory_space<hbm>> -> memref<1x300xf32, #tpu.memory_space<hbm>>
    tpu.wait_dma2 semaphore(%arg7 : memref<!tpu.dma_semaphore, #tpu.memory_space<semaphore_mem>>) src(%dma_wait3A_681 : memref<1x300xf32, #tpu.memory_space<hbm>>) dst(%dma_wait3A_678 : memref<1x300xf32, #tpu.memory_space<vmem>>)
    %dma_wait3A_682 = arith.constant 17 : i32
    %dma_wait3A_683 = arith.constant 0 : i32
    %dma_wait3A_684 = tpu.memref_slice %arg6[%dma_wait3A_682, %dma_wait3A_683] : memref<32x300xf32, #tpu.memory_space<vmem>> -> memref<1x300xf32, #tpu.memory_space<vmem>>
    %dma_wait3A_685 = arith.constant 0 : i32
    %dma_wait3A_686 = arith.constant 0 : i32
    %dma_wait3A_687 = tpu.memref_slice %arg3[%dma_wait3A_685, %dma_wait3A_686] : memref<100000x300xf32, #tpu.memory_space<hbm>> -> memref<1x300xf32, #tpu.memory_space<hbm>>
    %dma_wait3A_688 = arith.constant 17 : i32
    %dma_wait3A_689 = arith.constant 0 : i32
    %dma_wait3A_690 = tpu.memref_slice %arg6[%dma_wait3A_688, %dma_wait3A_689] : memref<32x300xf32, #tpu.memory_space<vmem>> -> memref<1x300xf32, #tpu.memory_space<vmem>>
    %dma_wait3A_691 = arith.constant 0 : i32
    %dma_wait3A_692 = arith.constant 0 : i32
    %dma_wait3A_693 = tpu.memref_slice %arg3[%dma_wait3A_691, %dma_wait3A_692] : memref<100000x300xf32, #tpu.memory_space<hbm>> -> memref<1x300xf32, #tpu.memory_space<hbm>>
    tpu.wait_dma2 semaphore(%arg7 : memref<!tpu.dma_semaphore, #tpu.memory_space<semaphore_mem>>) src(%dma_wait3A_693 : memref<1x300xf32, #tpu.memory_space<hbm>>) dst(%dma_wait3A_690 : memref<1x300xf32, #tpu.memory_space<vmem>>)
    %dma_wait3A_694 = arith.constant 18 : i32
    %dma_wait3A_695 = arith.constant 0 : i32
    %dma_wait3A_696 = tpu.memref_slice %arg6[%dma_wait3A_694, %dma_wait3A_695] : memref<32x300xf32, #tpu.memory_space<vmem>> -> memref<1x300xf32, #tpu.memory_space<vmem>>
    %dma_wait3A_697 = arith.constant 0 : i32
    %dma_wait3A_698 = arith.constant 0 : i32
    %dma_wait3A_699 = tpu.memref_slice %arg3[%dma_wait3A_697, %dma_wait3A_698] : memref<100000x300xf32, #tpu.memory_space<hbm>> -> memref<1x300xf32, #tpu.memory_space<hbm>>
    %dma_wait3A_700 = arith.constant 18 : i32
    %dma_wait3A_701 = arith.constant 0 : i32
    %dma_wait3A_702 = tpu.memref_slice %arg6[%dma_wait3A_700, %dma_wait3A_701] : memref<32x300xf32, #tpu.memory_space<vmem>> -> memref<1x300xf32, #tpu.memory_space<vmem>>
    %dma_wait3A_703 = arith.constant 0 : i32
    %dma_wait3A_704 = arith.constant 0 : i32
    %dma_wait3A_705 = tpu.memref_slice %arg3[%dma_wait3A_703, %dma_wait3A_704] : memref<100000x300xf32, #tpu.memory_space<hbm>> -> memref<1x300xf32, #tpu.memory_space<hbm>>
    tpu.wait_dma2 semaphore(%arg7 : memref<!tpu.dma_semaphore, #tpu.memory_space<semaphore_mem>>) src(%dma_wait3A_705 : memref<1x300xf32, #tpu.memory_space<hbm>>) dst(%dma_wait3A_702 : memref<1x300xf32, #tpu.memory_space<vmem>>)
    %dma_wait3A_706 = arith.constant 19 : i32
    %dma_wait3A_707 = arith.constant 0 : i32
    %dma_wait3A_708 = tpu.memref_slice %arg6[%dma_wait3A_706, %dma_wait3A_707] : memref<32x300xf32, #tpu.memory_space<vmem>> -> memref<1x300xf32, #tpu.memory_space<vmem>>
    %dma_wait3A_709 = arith.constant 0 : i32
    %dma_wait3A_710 = arith.constant 0 : i32
    %dma_wait3A_711 = tpu.memref_slice %arg3[%dma_wait3A_709, %dma_wait3A_710] : memref<100000x300xf32, #tpu.memory_space<hbm>> -> memref<1x300xf32, #tpu.memory_space<hbm>>
    %dma_wait3A_712 = arith.constant 19 : i32
    %dma_wait3A_713 = arith.constant 0 : i32
    %dma_wait3A_714 = tpu.memref_slice %arg6[%dma_wait3A_712, %dma_wait3A_713] : memref<32x300xf32, #tpu.memory_space<vmem>> -> memref<1x300xf32, #tpu.memory_space<vmem>>
    %dma_wait3A_715 = arith.constant 0 : i32
    %dma_wait3A_716 = arith.constant 0 : i32
    %dma_wait3A_717 = tpu.memref_slice %arg3[%dma_wait3A_715, %dma_wait3A_716] : memref<100000x300xf32, #tpu.memory_space<hbm>> -> memref<1x300xf32, #tpu.memory_space<hbm>>
    tpu.wait_dma2 semaphore(%arg7 : memref<!tpu.dma_semaphore, #tpu.memory_space<semaphore_mem>>) src(%dma_wait3A_717 : memref<1x300xf32, #tpu.memory_space<hbm>>) dst(%dma_wait3A_714 : memref<1x300xf32, #tpu.memory_space<vmem>>)
    %dma_wait3A_718 = arith.constant 20 : i32
    %dma_wait3A_719 = arith.constant 0 : i32
    %dma_wait3A_720 = tpu.memref_slice %arg6[%dma_wait3A_718, %dma_wait3A_719] : memref<32x300xf32, #tpu.memory_space<vmem>> -> memref<1x300xf32, #tpu.memory_space<vmem>>
    %dma_wait3A_721 = arith.constant 0 : i32
    %dma_wait3A_722 = arith.constant 0 : i32
    %dma_wait3A_723 = tpu.memref_slice %arg3[%dma_wait3A_721, %dma_wait3A_722] : memref<100000x300xf32, #tpu.memory_space<hbm>> -> memref<1x300xf32, #tpu.memory_space<hbm>>
    %dma_wait3A_724 = arith.constant 20 : i32
    %dma_wait3A_725 = arith.constant 0 : i32
    %dma_wait3A_726 = tpu.memref_slice %arg6[%dma_wait3A_724, %dma_wait3A_725] : memref<32x300xf32, #tpu.memory_space<vmem>> -> memref<1x300xf32, #tpu.memory_space<vmem>>
    %dma_wait3A_727 = arith.constant 0 : i32
    %dma_wait3A_728 = arith.constant 0 : i32
    %dma_wait3A_729 = tpu.memref_slice %arg3[%dma_wait3A_727, %dma_wait3A_728] : memref<100000x300xf32, #tpu.memory_space<hbm>> -> memref<1x300xf32, #tpu.memory_space<hbm>>
    tpu.wait_dma2 semaphore(%arg7 : memref<!tpu.dma_semaphore, #tpu.memory_space<semaphore_mem>>) src(%dma_wait3A_729 : memref<1x300xf32, #tpu.memory_space<hbm>>) dst(%dma_wait3A_726 : memref<1x300xf32, #tpu.memory_space<vmem>>)
    %dma_wait3A_730 = arith.constant 21 : i32
    %dma_wait3A_731 = arith.constant 0 : i32
    %dma_wait3A_732 = tpu.memref_slice %arg6[%dma_wait3A_730, %dma_wait3A_731] : memref<32x300xf32, #tpu.memory_space<vmem>> -> memref<1x300xf32, #tpu.memory_space<vmem>>
    %dma_wait3A_733 = arith.constant 0 : i32
    %dma_wait3A_734 = arith.constant 0 : i32
    %dma_wait3A_735 = tpu.memref_slice %arg3[%dma_wait3A_733, %dma_wait3A_734] : memref<100000x300xf32, #tpu.memory_space<hbm>> -> memref<1x300xf32, #tpu.memory_space<hbm>>
    %dma_wait3A_736 = arith.constant 21 : i32
    %dma_wait3A_737 = arith.constant 0 : i32
    %dma_wait3A_738 = tpu.memref_slice %arg6[%dma_wait3A_736, %dma_wait3A_737] : memref<32x300xf32, #tpu.memory_space<vmem>> -> memref<1x300xf32, #tpu.memory_space<vmem>>
    %dma_wait3A_739 = arith.constant 0 : i32
    %dma_wait3A_740 = arith.constant 0 : i32
    %dma_wait3A_741 = tpu.memref_slice %arg3[%dma_wait3A_739, %dma_wait3A_740] : memref<100000x300xf32, #tpu.memory_space<hbm>> -> memref<1x300xf32, #tpu.memory_space<hbm>>
    tpu.wait_dma2 semaphore(%arg7 : memref<!tpu.dma_semaphore, #tpu.memory_space<semaphore_mem>>) src(%dma_wait3A_741 : memref<1x300xf32, #tpu.memory_space<hbm>>) dst(%dma_wait3A_738 : memref<1x300xf32, #tpu.memory_space<vmem>>)
    %dma_wait3A_742 = arith.constant 22 : i32
    %dma_wait3A_743 = arith.constant 0 : i32
    %dma_wait3A_744 = tpu.memref_slice %arg6[%dma_wait3A_742, %dma_wait3A_743] : memref<32x300xf32, #tpu.memory_space<vmem>> -> memref<1x300xf32, #tpu.memory_space<vmem>>
    %dma_wait3A_745 = arith.constant 0 : i32
    %dma_wait3A_746 = arith.constant 0 : i32
    %dma_wait3A_747 = tpu.memref_slice %arg3[%dma_wait3A_745, %dma_wait3A_746] : memref<100000x300xf32, #tpu.memory_space<hbm>> -> memref<1x300xf32, #tpu.memory_space<hbm>>
    %dma_wait3A_748 = arith.constant 22 : i32
    %dma_wait3A_749 = arith.constant 0 : i32
    %dma_wait3A_750 = tpu.memref_slice %arg6[%dma_wait3A_748, %dma_wait3A_749] : memref<32x300xf32, #tpu.memory_space<vmem>> -> memref<1x300xf32, #tpu.memory_space<vmem>>
    %dma_wait3A_751 = arith.constant 0 : i32
    %dma_wait3A_752 = arith.constant 0 : i32
    %dma_wait3A_753 = tpu.memref_slice %arg3[%dma_wait3A_751, %dma_wait3A_752] : memref<100000x300xf32, #tpu.memory_space<hbm>> -> memref<1x300xf32, #tpu.memory_space<hbm>>
    tpu.wait_dma2 semaphore(%arg7 : memref<!tpu.dma_semaphore, #tpu.memory_space<semaphore_mem>>) src(%dma_wait3A_753 : memref<1x300xf32, #tpu.memory_space<hbm>>) dst(%dma_wait3A_750 : memref<1x300xf32, #tpu.memory_space<vmem>>)
    %dma_wait3A_754 = arith.constant 23 : i32
    %dma_wait3A_755 = arith.constant 0 : i32
    %dma_wait3A_756 = tpu.memref_slice %arg6[%dma_wait3A_754, %dma_wait3A_755] : memref<32x300xf32, #tpu.memory_space<vmem>> -> memref<1x300xf32, #tpu.memory_space<vmem>>
    %dma_wait3A_757 = arith.constant 0 : i32
    %dma_wait3A_758 = arith.constant 0 : i32
    %dma_wait3A_759 = tpu.memref_slice %arg3[%dma_wait3A_757, %dma_wait3A_758] : memref<100000x300xf32, #tpu.memory_space<hbm>> -> memref<1x300xf32, #tpu.memory_space<hbm>>
    %dma_wait3A_760 = arith.constant 23 : i32
    %dma_wait3A_761 = arith.constant 0 : i32
    %dma_wait3A_762 = tpu.memref_slice %arg6[%dma_wait3A_760, %dma_wait3A_761] : memref<32x300xf32, #tpu.memory_space<vmem>> -> memref<1x300xf32, #tpu.memory_space<vmem>>
    %dma_wait3A_763 = arith.constant 0 : i32
    %dma_wait3A_764 = arith.constant 0 : i32
    %dma_wait3A_765 = tpu.memref_slice %arg3[%dma_wait3A_763, %dma_wait3A_764] : memref<100000x300xf32, #tpu.memory_space<hbm>> -> memref<1x300xf32, #tpu.memory_space<hbm>>
    tpu.wait_dma2 semaphore(%arg7 : memref<!tpu.dma_semaphore, #tpu.memory_space<semaphore_mem>>) src(%dma_wait3A_765 : memref<1x300xf32, #tpu.memory_space<hbm>>) dst(%dma_wait3A_762 : memref<1x300xf32, #tpu.memory_space<vmem>>)
    %dma_wait3A_766 = arith.constant 24 : i32
    %dma_wait3A_767 = arith.constant 0 : i32
    %dma_wait3A_768 = tpu.memref_slice %arg6[%dma_wait3A_766, %dma_wait3A_767] : memref<32x300xf32, #tpu.memory_space<vmem>> -> memref<1x300xf32, #tpu.memory_space<vmem>>
    %dma_wait3A_769 = arith.constant 0 : i32
    %dma_wait3A_770 = arith.constant 0 : i32
    %dma_wait3A_771 = tpu.memref_slice %arg3[%dma_wait3A_769, %dma_wait3A_770] : memref<100000x300xf32, #tpu.memory_space<hbm>> -> memref<1x300xf32, #tpu.memory_space<hbm>>
    %dma_wait3A_772 = arith.constant 24 : i32
    %dma_wait3A_773 = arith.constant 0 : i32
    %dma_wait3A_774 = tpu.memref_slice %arg6[%dma_wait3A_772, %dma_wait3A_773] : memref<32x300xf32, #tpu.memory_space<vmem>> -> memref<1x300xf32, #tpu.memory_space<vmem>>
    %dma_wait3A_775 = arith.constant 0 : i32
    %dma_wait3A_776 = arith.constant 0 : i32
    %dma_wait3A_777 = tpu.memref_slice %arg3[%dma_wait3A_775, %dma_wait3A_776] : memref<100000x300xf32, #tpu.memory_space<hbm>> -> memref<1x300xf32, #tpu.memory_space<hbm>>
    tpu.wait_dma2 semaphore(%arg7 : memref<!tpu.dma_semaphore, #tpu.memory_space<semaphore_mem>>) src(%dma_wait3A_777 : memref<1x300xf32, #tpu.memory_space<hbm>>) dst(%dma_wait3A_774 : memref<1x300xf32, #tpu.memory_space<vmem>>)
    %dma_wait3A_778 = arith.constant 25 : i32
    %dma_wait3A_779 = arith.constant 0 : i32
    %dma_wait3A_780 = tpu.memref_slice %arg6[%dma_wait3A_778, %dma_wait3A_779] : memref<32x300xf32, #tpu.memory_space<vmem>> -> memref<1x300xf32, #tpu.memory_space<vmem>>
    %dma_wait3A_781 = arith.constant 0 : i32
    %dma_wait3A_782 = arith.constant 0 : i32
    %dma_wait3A_783 = tpu.memref_slice %arg3[%dma_wait3A_781, %dma_wait3A_782] : memref<100000x300xf32, #tpu.memory_space<hbm>> -> memref<1x300xf32, #tpu.memory_space<hbm>>
    %dma_wait3A_784 = arith.constant 25 : i32
    %dma_wait3A_785 = arith.constant 0 : i32
    %dma_wait3A_786 = tpu.memref_slice %arg6[%dma_wait3A_784, %dma_wait3A_785] : memref<32x300xf32, #tpu.memory_space<vmem>> -> memref<1x300xf32, #tpu.memory_space<vmem>>
    %dma_wait3A_787 = arith.constant 0 : i32
    %dma_wait3A_788 = arith.constant 0 : i32
    %dma_wait3A_789 = tpu.memref_slice %arg3[%dma_wait3A_787, %dma_wait3A_788] : memref<100000x300xf32, #tpu.memory_space<hbm>> -> memref<1x300xf32, #tpu.memory_space<hbm>>
    tpu.wait_dma2 semaphore(%arg7 : memref<!tpu.dma_semaphore, #tpu.memory_space<semaphore_mem>>) src(%dma_wait3A_789 : memref<1x300xf32, #tpu.memory_space<hbm>>) dst(%dma_wait3A_786 : memref<1x300xf32, #tpu.memory_space<vmem>>)
    %dma_wait3A_790 = arith.constant 26 : i32
    %dma_wait3A_791 = arith.constant 0 : i32
    %dma_wait3A_792 = tpu.memref_slice %arg6[%dma_wait3A_790, %dma_wait3A_791] : memref<32x300xf32, #tpu.memory_space<vmem>> -> memref<1x300xf32, #tpu.memory_space<vmem>>
    %dma_wait3A_793 = arith.constant 0 : i32
    %dma_wait3A_794 = arith.constant 0 : i32
    %dma_wait3A_795 = tpu.memref_slice %arg3[%dma_wait3A_793, %dma_wait3A_794] : memref<100000x300xf32, #tpu.memory_space<hbm>> -> memref<1x300xf32, #tpu.memory_space<hbm>>
    %dma_wait3A_796 = arith.constant 26 : i32
    %dma_wait3A_797 = arith.constant 0 : i32
    %dma_wait3A_798 = tpu.memref_slice %arg6[%dma_wait3A_796, %dma_wait3A_797] : memref<32x300xf32, #tpu.memory_space<vmem>> -> memref<1x300xf32, #tpu.memory_space<vmem>>
    %dma_wait3A_799 = arith.constant 0 : i32
    %dma_wait3A_800 = arith.constant 0 : i32
    %dma_wait3A_801 = tpu.memref_slice %arg3[%dma_wait3A_799, %dma_wait3A_800] : memref<100000x300xf32, #tpu.memory_space<hbm>> -> memref<1x300xf32, #tpu.memory_space<hbm>>
    tpu.wait_dma2 semaphore(%arg7 : memref<!tpu.dma_semaphore, #tpu.memory_space<semaphore_mem>>) src(%dma_wait3A_801 : memref<1x300xf32, #tpu.memory_space<hbm>>) dst(%dma_wait3A_798 : memref<1x300xf32, #tpu.memory_space<vmem>>)
    %dma_wait3A_802 = arith.constant 27 : i32
    %dma_wait3A_803 = arith.constant 0 : i32
    %dma_wait3A_804 = tpu.memref_slice %arg6[%dma_wait3A_802, %dma_wait3A_803] : memref<32x300xf32, #tpu.memory_space<vmem>> -> memref<1x300xf32, #tpu.memory_space<vmem>>
    %dma_wait3A_805 = arith.constant 0 : i32
    %dma_wait3A_806 = arith.constant 0 : i32
    %dma_wait3A_807 = tpu.memref_slice %arg3[%dma_wait3A_805, %dma_wait3A_806] : memref<100000x300xf32, #tpu.memory_space<hbm>> -> memref<1x300xf32, #tpu.memory_space<hbm>>
    %dma_wait3A_808 = arith.constant 27 : i32
    %dma_wait3A_809 = arith.constant 0 : i32
    %dma_wait3A_810 = tpu.memref_slice %arg6[%dma_wait3A_808, %dma_wait3A_809] : memref<32x300xf32, #tpu.memory_space<vmem>> -> memref<1x300xf32, #tpu.memory_space<vmem>>
    %dma_wait3A_811 = arith.constant 0 : i32
    %dma_wait3A_812 = arith.constant 0 : i32
    %dma_wait3A_813 = tpu.memref_slice %arg3[%dma_wait3A_811, %dma_wait3A_812] : memref<100000x300xf32, #tpu.memory_space<hbm>> -> memref<1x300xf32, #tpu.memory_space<hbm>>
    tpu.wait_dma2 semaphore(%arg7 : memref<!tpu.dma_semaphore, #tpu.memory_space<semaphore_mem>>) src(%dma_wait3A_813 : memref<1x300xf32, #tpu.memory_space<hbm>>) dst(%dma_wait3A_810 : memref<1x300xf32, #tpu.memory_space<vmem>>)
    %dma_wait3A_814 = arith.constant 28 : i32
    %dma_wait3A_815 = arith.constant 0 : i32
    %dma_wait3A_816 = tpu.memref_slice %arg6[%dma_wait3A_814, %dma_wait3A_815] : memref<32x300xf32, #tpu.memory_space<vmem>> -> memref<1x300xf32, #tpu.memory_space<vmem>>
    %dma_wait3A_817 = arith.constant 0 : i32
    %dma_wait3A_818 = arith.constant 0 : i32
    %dma_wait3A_819 = tpu.memref_slice %arg3[%dma_wait3A_817, %dma_wait3A_818] : memref<100000x300xf32, #tpu.memory_space<hbm>> -> memref<1x300xf32, #tpu.memory_space<hbm>>
    %dma_wait3A_820 = arith.constant 28 : i32
    %dma_wait3A_821 = arith.constant 0 : i32
    %dma_wait3A_822 = tpu.memref_slice %arg6[%dma_wait3A_820, %dma_wait3A_821] : memref<32x300xf32, #tpu.memory_space<vmem>> -> memref<1x300xf32, #tpu.memory_space<vmem>>
    %dma_wait3A_823 = arith.constant 0 : i32
    %dma_wait3A_824 = arith.constant 0 : i32
    %dma_wait3A_825 = tpu.memref_slice %arg3[%dma_wait3A_823, %dma_wait3A_824] : memref<100000x300xf32, #tpu.memory_space<hbm>> -> memref<1x300xf32, #tpu.memory_space<hbm>>
    tpu.wait_dma2 semaphore(%arg7 : memref<!tpu.dma_semaphore, #tpu.memory_space<semaphore_mem>>) src(%dma_wait3A_825 : memref<1x300xf32, #tpu.memory_space<hbm>>) dst(%dma_wait3A_822 : memref<1x300xf32, #tpu.memory_space<vmem>>)
    %dma_wait3A_826 = arith.constant 29 : i32
    %dma_wait3A_827 = arith.constant 0 : i32
    %dma_wait3A_828 = tpu.memref_slice %arg6[%dma_wait3A_826, %dma_wait3A_827] : memref<32x300xf32, #tpu.memory_space<vmem>> -> memref<1x300xf32, #tpu.memory_space<vmem>>
    %dma_wait3A_829 = arith.constant 0 : i32
    %dma_wait3A_830 = arith.constant 0 : i32
    %dma_wait3A_831 = tpu.memref_slice %arg3[%dma_wait3A_829, %dma_wait3A_830] : memref<100000x300xf32, #tpu.memory_space<hbm>> -> memref<1x300xf32, #tpu.memory_space<hbm>>
    %dma_wait3A_832 = arith.constant 29 : i32
    %dma_wait3A_833 = arith.constant 0 : i32
    %dma_wait3A_834 = tpu.memref_slice %arg6[%dma_wait3A_832, %dma_wait3A_833] : memref<32x300xf32, #tpu.memory_space<vmem>> -> memref<1x300xf32, #tpu.memory_space<vmem>>
    %dma_wait3A_835 = arith.constant 0 : i32
    %dma_wait3A_836 = arith.constant 0 : i32
    %dma_wait3A_837 = tpu.memref_slice %arg3[%dma_wait3A_835, %dma_wait3A_836] : memref<100000x300xf32, #tpu.memory_space<hbm>> -> memref<1x300xf32, #tpu.memory_space<hbm>>
    tpu.wait_dma2 semaphore(%arg7 : memref<!tpu.dma_semaphore, #tpu.memory_space<semaphore_mem>>) src(%dma_wait3A_837 : memref<1x300xf32, #tpu.memory_space<hbm>>) dst(%dma_wait3A_834 : memref<1x300xf32, #tpu.memory_space<vmem>>)
    %dma_wait3A_838 = arith.constant 30 : i32
    %dma_wait3A_839 = arith.constant 0 : i32
    %dma_wait3A_840 = tpu.memref_slice %arg6[%dma_wait3A_838, %dma_wait3A_839] : memref<32x300xf32, #tpu.memory_space<vmem>> -> memref<1x300xf32, #tpu.memory_space<vmem>>
    %dma_wait3A_841 = arith.constant 0 : i32
    %dma_wait3A_842 = arith.constant 0 : i32
    %dma_wait3A_843 = tpu.memref_slice %arg3[%dma_wait3A_841, %dma_wait3A_842] : memref<100000x300xf32, #tpu.memory_space<hbm>> -> memref<1x300xf32, #tpu.memory_space<hbm>>
    %dma_wait3A_844 = arith.constant 30 : i32
    %dma_wait3A_845 = arith.constant 0 : i32
    %dma_wait3A_846 = tpu.memref_slice %arg6[%dma_wait3A_844, %dma_wait3A_845] : memref<32x300xf32, #tpu.memory_space<vmem>> -> memref<1x300xf32, #tpu.memory_space<vmem>>
    %dma_wait3A_847 = arith.constant 0 : i32
    %dma_wait3A_848 = arith.constant 0 : i32
    %dma_wait3A_849 = tpu.memref_slice %arg3[%dma_wait3A_847, %dma_wait3A_848] : memref<100000x300xf32, #tpu.memory_space<hbm>> -> memref<1x300xf32, #tpu.memory_space<hbm>>
    tpu.wait_dma2 semaphore(%arg7 : memref<!tpu.dma_semaphore, #tpu.memory_space<semaphore_mem>>) src(%dma_wait3A_849 : memref<1x300xf32, #tpu.memory_space<hbm>>) dst(%dma_wait3A_846 : memref<1x300xf32, #tpu.memory_space<vmem>>)
    %dma_wait3A_850 = arith.constant 31 : i32
    %dma_wait3A_851 = arith.constant 0 : i32
    %dma_wait3A_852 = tpu.memref_slice %arg6[%dma_wait3A_850, %dma_wait3A_851] : memref<32x300xf32, #tpu.memory_space<vmem>> -> memref<1x300xf32, #tpu.memory_space<vmem>>
    %dma_wait3A_853 = arith.constant 0 : i32
    %dma_wait3A_854 = arith.constant 0 : i32
    %dma_wait3A_855 = tpu.memref_slice %arg3[%dma_wait3A_853, %dma_wait3A_854] : memref<100000x300xf32, #tpu.memory_space<hbm>> -> memref<1x300xf32, #tpu.memory_space<hbm>>
    %dma_wait3A_856 = arith.constant 31 : i32
    %dma_wait3A_857 = arith.constant 0 : i32
    %dma_wait3A_858 = tpu.memref_slice %arg6[%dma_wait3A_856, %dma_wait3A_857] : memref<32x300xf32, #tpu.memory_space<vmem>> -> memref<1x300xf32, #tpu.memory_space<vmem>>
    %dma_wait3A_859 = arith.constant 0 : i32
    %dma_wait3A_860 = arith.constant 0 : i32
    %dma_wait3A_861 = tpu.memref_slice %arg3[%dma_wait3A_859, %dma_wait3A_860] : memref<100000x300xf32, #tpu.memory_space<hbm>> -> memref<1x300xf32, #tpu.memory_space<hbm>>
    tpu.wait_dma2 semaphore(%arg7 : memref<!tpu.dma_semaphore, #tpu.memory_space<semaphore_mem>>) src(%dma_wait3A_861 : memref<1x300xf32, #tpu.memory_space<hbm>>) dst(%dma_wait3A_858 : memref<1x300xf32, #tpu.memory_space<vmem>>)
    "tpu.region"() ({
      %run_scoped3A = tpu.sem_alloc : memref<!tpu.dma_semaphore, #tpu.memory_space<semaphore_mem>>
      %dma_start3A_862 = arith.constant 0 : i32
      %dma_start3A_863 = tpu.memref_slice %arg4[%mul3A_2, %dma_start3A_862] : memref<1024x300xf32, #tpu.memory_space<hbm>> -> memref<32x300xf32, #tpu.memory_space<hbm>>
      %dma_start3A_864 = arith.constant 0 : i32
      %dma_start3A_865 = tpu.memref_slice %arg4[%mul3A_2, %dma_start3A_864] : memref<1024x300xf32, #tpu.memory_space<hbm>> -> memref<32x300xf32, #tpu.memory_space<hbm>>
      tpu.enqueue_dma source(%arg6 : memref<32x300xf32, #tpu.memory_space<vmem>>) target(%dma_start3A_865 : memref<32x300xf32, #tpu.memory_space<hbm>>) target_semaphore(%run_scoped3A : memref<!tpu.dma_semaphore, #tpu.memory_space<semaphore_mem>>)
      %dma_wait3A_866 = arith.constant 0 : i32
      %dma_wait3A_867 = tpu.memref_slice %arg4[%mul3A_2, %dma_wait3A_866] : memref<1024x300xf32, #tpu.memory_space<hbm>> -> memref<32x300xf32, #tpu.memory_space<hbm>>
      %dma_wait3A_868 = arith.constant 0 : i32
      %dma_wait3A_869 = tpu.memref_slice %arg4[%mul3A_2, %dma_wait3A_868] : memref<1024x300xf32, #tpu.memory_space<hbm>> -> memref<32x300xf32, #tpu.memory_space<hbm>>
      tpu.wait_dma2 semaphore(%run_scoped3A : memref<!tpu.dma_semaphore, #tpu.memory_space<semaphore_mem>>) src(%arg6 : memref<32x300xf32, #tpu.memory_space<vmem>>) dst(%dma_wait3A_869 : memref<32x300xf32, #tpu.memory_space<hbm>>)
      tpu.yield
    }) : () -> ()
    return
  }
}

module attributes {stable_mosaic.version = 14 : i64} {
  func.func @mm_kernel(%arg0: i32, %arg1: memref<1024x300xf32, #tpu.memory_space<vmem>>, %arg2: memref<4096x300xbf16, #tpu.memory_space<vmem>>, %arg3: memref<1x1x4096xf32, #tpu.memory_space<vmem>>, %arg4: memref<1024x4096xbf16, #tpu.memory_space<vmem>>, %arg5: memref<1024x300xbf16, #tpu.memory_space<vmem>>) attributes {dimension_semantics = [#tpu.dimension_semantics<arbitrary>], iteration_bounds = array<i64: 25>, scalar_prefetch = 0 : i64, scratch_operands = 1 : i64, tpu.core_type = #tpu.core_type<tc>, window_params = [{pipeline_mode = #tpu.pipeline_mode<synchronous>, transform_indices = @transform_0, window_bounds = array<i64: 1024, 300>}, {transform_indices = @transform_1, window_bounds = array<i64: 4096, 300>}, {transform_indices = @transform_2, window_bounds = array<i64: 1, 1, 4096>}, {transform_indices = @transform_3, window_bounds = array<i64: 1024, 4096>}]} {
    %eq3A = arith.constant 0 : i32
    %eq3A_0 = arith.cmpi eq, %arg0, %eq3A : i32
    %convert_element_type3A = arith.extui %eq3A_0 : i1 to i32
    %cond3A = arith.constant 0 : i32
    %cond3A_1 = arith.cmpi ne, %convert_element_type3A, %cond3A : i32
    scf.if %cond3A_1 {
      %get3A_17 = arith.constant 0 : index
      %get3A_18 = arith.constant 0 : index
      %get3A_19 = vector.load %arg1[%get3A_17, %get3A_18] : memref<1024x300xf32, #tpu.memory_space<vmem>>, vector<1024x300xf32>
      %mul3A = arith.mulf %get3A_19, %get3A_19 : vector<1024x300xf32>
      %reduce_sum3A = arith.constant dense<0.000000e+00> : vector<1024xf32>
      %reduce_sum3A_20 = vector.multi_reduction <add>, %mul3A, %reduce_sum3A [1] : vector<1024x300xf32> to vector<1024xf32>
      %broadcast_in_dim3A = vector.shape_cast %reduce_sum3A_20 : vector<1024xf32> to vector<1024x1xf32>
      %sqrt3A = math.sqrt %broadcast_in_dim3A : vector<1024x1xf32>
      %max3A = arith.constant 9.99999996E-13 : f32
      %max3A_21 = vector.broadcast %max3A : f32 to vector<1024x1xf32>
      %max3A_22 = arith.maximumf %sqrt3A, %max3A_21 : vector<1024x1xf32>
      %div3A = arith.constant 1.000000e+00 : f32
      %div3A_23 = vector.broadcast %div3A : f32 to vector<1024x1xf32>
      %div3A_24 = arith.divf %div3A_23, %max3A_22 : vector<1024x1xf32>
      %min3A = arith.constant 1.000000e+00 : f32
      %min3A_25 = vector.broadcast %min3A : f32 to vector<1024x1xf32>
      %min3A_26 = arith.minimumf %min3A_25, %div3A_24 : vector<1024x1xf32>
      %mul3A_27 = vector.broadcast %min3A_26 : vector<1024x1xf32> to vector<1024x300xf32>
      %mul3A_28 = arith.mulf %get3A_19, %mul3A_27 : vector<1024x300xf32>
      %convert_element_type3A_29 = arith.truncf %mul3A_28 : vector<1024x300xf32> to vector<1024x300xbf16>
      %swap3A_30 = arith.constant 0 : index
      %swap3A_31 = arith.constant 0 : index
      %swap3A_32 = vector.load %arg5[%swap3A_30, %swap3A_31] : memref<1024x300xbf16, #tpu.memory_space<vmem>>, vector<1024x300xbf16>
      tpu.vector_store %arg5[%swap3A_30, %swap3A_31], %convert_element_type3A_29 {strides = array<i32>} : memref<1024x300xbf16, #tpu.memory_space<vmem>>, vector<1024x300xbf16>,
    } else {
    }
    %get3A = arith.constant 0 : index
    %get3A_2 = arith.constant 0 : index
    %get3A_3 = vector.load %arg5[%get3A, %get3A_2] : memref<1024x300xbf16, #tpu.memory_space<vmem>>, vector<1024x300xbf16>
    %get3A_4 = arith.constant 0 : index
    %get3A_5 = arith.constant 0 : index
    %get3A_6 = vector.load %arg2[%get3A_4, %get3A_5] : memref<4096x300xbf16, #tpu.memory_space<vmem>>, vector<4096x300xbf16>
    %dot_general3A = arith.constant dense<0.000000e+00> : vector<1024x4096xf32>
    %dot_general3A_7 = tpu.matmul %get3A_3, %get3A_6, %dot_general3A {dimension_numbers = #tpu.dot_dimension_numbers<[1], [1], [0], [0], [0, 0, 1, 0], [], []>, transpose_lhs_hint = false} : vector<1024x300xbf16>, vector<4096x300xbf16>, vector<1024x4096xf32> -> vector<1024x4096xf32>
    %get3A_8 = arith.constant 0 : index
    %get3A_9 = arith.constant 0 : index
    %get3A_10 = arith.constant 0 : index
    %get3A_11 = vector.load %arg3[%get3A_8, %get3A_9, %get3A_10] : memref<1x1x4096xf32, #tpu.memory_space<vmem>>, vector<1x1x4096xf32>
    %get3A_12 = vector.shape_cast %get3A_11 : vector<1x1x4096xf32> to vector<1x4096xf32>
    %add3A = vector.broadcast %get3A_12 : vector<1x4096xf32> to vector<1024x4096xf32>
    %add3A_13 = arith.addf %dot_general3A_7, %add3A : vector<1024x4096xf32>
    %convert_element_type3A_14 = arith.truncf %add3A_13 : vector<1024x4096xf32> to vector<1024x4096xbf16>
    %swap3A = arith.constant 0 : index
    %swap3A_15 = arith.constant 0 : index
    %swap3A_16 = vector.load %arg4[%swap3A, %swap3A_15] : memref<1024x4096xbf16, #tpu.memory_space<vmem>>, vector<1024x4096xbf16>
    tpu.vector_store %arg4[%swap3A, %swap3A_15], %convert_element_type3A_14 {strides = array<i32>} : memref<1024x4096xbf16, #tpu.memory_space<vmem>>, vector<1024x4096xbf16>,
    return
  }
  func.func @transform_0(%arg0: i32) -> (i32, i32) {
    %c0_i32 = arith.constant 0 : i32
    %c0_i32_0 = arith.constant 0 : i32
    %c0_i32_1 = arith.constant 0 : i32
    return %c0_i32, %c0_i32_0 : i32, i32
  }
  func.func @transform_1(%arg0: i32) -> (i32, i32) {
    %c0_i32 = arith.constant 0 : i32
    %c0_i32_0 = arith.constant 0 : i32
    return %arg0, %c0_i32 : i32, i32
  }
  func.func @transform_2(%arg0: i32) -> (i32, i32, i32) {
    %c0_i32 = arith.constant 0 : i32
    %c0_i32_0 = arith.constant 0 : i32
    %c0_i32_1 = arith.constant 0 : i32
    return %arg0, %c0_i32, %c0_i32_0 : i32, i32, i32
  }
  func.func @transform_3(%arg0: i32) -> (i32, i32) {
    %c0_i32 = arith.constant 0 : i32
    %c0_i32_0 = arith.constant 0 : i32
    return %c0_i32, %arg0 : i32, i32
  }
}

</mosaic_0001>

<sc_bundles>
// kernel: kernel.4.cloned.1.call-start
scs
__scs_entry_jumppad:
0x0: {  	(pc) =	sbr.rel $0x88, $3  }
0x1: {  	(tag) =	ssettag $0x0;
	lr =	simm.s32 $0x1  }
0x2: {  	[smem:$0x3F9D] =	sst lr;
	_ =	strace $0xD0000000  }
0x3: {  	_ = 	snop  }
0x4: {  	_ = 	snop  }
0x5: {  	_ = 	snop  }
0x6: {  	_ = 	snop  }
0x7: {  	_ = 	snop  }
__scs_overlays_trampoline_lowered:
0x8: {  	[smem:$0x3FAC] =	sst s0  }
0x9: {  	[smem:$0x3FAD] =	sst s1  }
0xa: {  	[smem:$0x3FAE] =	sst s2  }
0xb: {  	[smem:$0x3FAF] =	sst s3  }
0xc: {  	[smem:$0x3FB0] =	sst s4  }
0xd: {  	[smem:$0x3FB1] =	sst s5  }
0xe: {  	[smem:$0x3FB2] =	sst s6  }
0xf: {  	[smem:$0x3FB3] =	sst s7  }
0x10: {  	[smem:$0x3FB4] =	sst s8  }
0x11: {  	[smem:$0x3FB5] =	sst s9;
	s0 =	simm.s32 @!p0 $0x0  }
0x12: {  	s1 =	sld [smem:$0x3F9B];
	s0 =	simm.s32 @p0 $0x1  }
0x13: {  	[smem:$0x3FB6] =	sst s0;
	s0 =	simm.s32 @!p1 $0x0  }
0x14: {  	s2 =	sld [smem:$0x3F9A];
	s0 =	simm.s32 @p1 $0x1  }
0x15: {  	[smem:$0x3FB7] =	sst s0;
	s0 =	simm.s32 @!p2 $0x0  }
0x16: {  	s3 =	sld [smem:$0x3FDB];
	s0 =	simm.s32 @p2 $0x1  }
0x17: {  	s4 =	simm.s32 $0x1BF5;
	[smem:$0x3FB9] =	sst s0  }
0x18: {  	s0 =	sld [smem:$0x3F9C];
	_ =	swait.ge [sflag:s4], $0x0  }
0x19: {  	s7 =	sld [smem:$0x3F9D]  }
0x1a: {  	s8 =	sadd.s32 $0xFFFFE003, lr  }
0x1b: {  	s9 =	sadd.s32 $0xFFFFFEF7, lr;
	s5 =	simm.s32 $0xFFFFFFFF;
	p2 =	slt.u32 s8, $0xFFFFF086  }
0x1c: {  	p1 =	slt.u32 s9, $0xF7A;
	s5 =	simm.s32 @!p2 $0x0  }
0x1d: {  	s5 =	simm.s32 @p1 $0x1;
	p0 =	seq.s32 s7, s2  }
0x1e: {  	s7 =	smul.u32 @!p0 $0xF7A, s2;
	p2 =	seq.s32 @!p0 s5, $0x0  }
0x1f: {  	s9 =	smul.u32 $0xF7A, s1;
	s8 =	simm.s32 @!p0 $0x1BF5;
	p2 =	por !p2, p0  }
0x20: {  	[sflag:s8] =	ssyncset.s32 @!p0 $0xFFFFF086;
	s6 =	sadd.s32 @!p0 s3, s7;
	s7 =	simm.s32 @!p0 $0x108  }
0x21: {  	s3 =	sadd.s32 s3, s9;
	s6 =	sadd.s32 @!p0 $0x88, s6;
	s7 =	simm.s32 @p2 $0x1082  }
0x22: {  	[simem:s7], [sflag:s8] =	dma.local @!p0 [hbm:s6], $0xF7A  }
0x23: {  	s9 =	sor.u32 $0xD0000000, s2;
	s6 =	simm.s32 $0x108;
	_ =	swait.ge @!p0 [sflag:s8], $0x0  }
0x24: {  	s3 =	sadd.s32 $0x88, s3;
	s6 =	simm.s32 @!p1 $0x1082;
	[sflag:s4] =	ssyncset.s32 $0xFFFFF086  }
0x25: {  	[simem:s6], [sflag:s4] =	dma.local [hbm:s3], $0xF7A  }
0x26: {  	[smem:$0x3F9D] =	sst s1;
	(tag) =	ssettag s2;
	_ =	strace s9  }
0x27: {  	s1 =	sld [smem:$0x3FAD]  }
0x28: {  	s2 =	sld [smem:$0x3FAE]  }
0x29: {  	s4 =	sld [smem:$0x3FB0]  }
0x2a: {  	p0 =	seq.s32 s5, $0x0;
	s5 =	sld [smem:$0x3FB1]  }
0x2b: {  	s6 =	sld [smem:$0x3FB2]  }
0x2c: {  	s7 =	sld [smem:$0x3FB3]  }
0x2d: {  	s3 =	simm.s32 $0x108;
	s8 =	sld [smem:$0x3FB4]  }
0x2e: {  	s3 =	simm.s32 @!p0 $0x1082;
	s9 =	sld [smem:$0x3FB5]  }
0x2f: {  	lr =	sadd.s32 s0, s3;
	s0 =	sld [smem:$0x3FAC]  }
0x30: {  	s3 =	sld [smem:$0x3FAF]  }
0x31: {  	[smem:$0x3FB8] =	sst s10  }
0x32: {  	s10 =	sld [smem:$0x3FB6];
	_ =	sdelay $0x3  }
0x33: {  	p0 =	seq.s32 s10, $0x1;
	s10 =	sld [smem:$0x3FB8];
	_ =	sdelay $0x3  }
0x34: {  	[smem:$0x3FB8] =	sst s10  }
0x35: {  	s10 =	sld [smem:$0x3FB7];
	_ =	sdelay $0x3  }
0x36: {  	p1 =	seq.s32 s10, $0x1;
	s10 =	sld [smem:$0x3FB8];
	_ =	sdelay $0x3  }
0x37: {  	[smem:$0x3FB8] =	sst s10  }
0x38: {  	s10 =	sld [smem:$0x3FB9]  }
0x39: {  	_ = 	snop;
	(pc) =	sbr.ind lr, $3  }
0x3a: {  	_ = 	snop  }
0x3b: {  	_ = 	snop  }
0x3c: {  	p2 =	seq.s32 s10, $0x1;
	s10 =	sld [smem:$0x3FB8]  }
0x3d: {  	_ =	shalt  }
0x3e: {  	_ =	shalt  }
0x3f: {  	_ =	shalt  }
0x40: {  	_ =	shalt  }
0x41: {  	_ =	shalt  }
0x42: {  	_ =	shalt  }
0x43: {  	_ =	shalt  }
0x44: {  	_ =	shalt  }
0x45: {  	_ =	shalt  }
0x46: {  	_ =	shalt  }
0x47: {  	_ =	shalt  }
0x48: {  	_ =	shalt  }
0x49: {  	_ =	shalt  }
0x4a: {  	_ =	shalt  }
0x4b: {  	_ =	shalt  }
0x4c: {  	_ =	shalt  }
0x4d: {  	_ =	shalt  }
0x4e: {  	_ =	shalt  }
0x4f: {  	_ =	shalt  }
0x50: {  	_ =	shalt  }
0x51: {  	_ =	shalt  }
0x52: {  	_ =	shalt  }
0x53: {  	_ =	shalt  }
0x54: {  	_ =	shalt  }
0x55: {  	_ =	shalt  }
0x56: {  	_ =	shalt  }
0x57: {  	_ =	shalt  }
0x58: {  	_ =	shalt  }
0x59: {  	_ =	shalt  }
0x5a: {  	_ =	shalt  }
0x5b: {  	_ =	shalt  }
0x5c: {  	_ =	shalt  }
0x5d: {  	_ =	shalt  }
0x5e: {  	_ =	shalt  }
0x5f: {  	_ =	shalt  }
0x60: {  	_ =	shalt  }
0x61: {  	_ =	shalt  }
0x62: {  	_ =	shalt  }
0x63: {  	_ =	shalt  }
0x64: {  	_ =	shalt  }
0x65: {  	_ =	shalt  }
0x66: {  	_ =	shalt  }
0x67: {  	_ =	shalt  }
0x68: {  	_ =	shalt  }
0x69: {  	_ =	shalt  }
0x6a: {  	_ =	shalt  }
0x6b: {  	_ =	shalt  }
0x6c: {  	_ =	shalt  }
0x6d: {  	_ =	shalt  }
0x6e: {  	_ =	shalt  }
0x6f: {  	_ =	shalt  }
0x70: {  	_ =	shalt  }
0x71: {  	_ =	shalt  }
0x72: {  	_ =	shalt  }
0x73: {  	_ =	shalt  }
0x74: {  	_ =	shalt  }
0x75: {  	_ =	shalt  }
0x76: {  	_ =	shalt  }
0x77: {  	_ =	shalt  }
0x78: {  	_ =	shalt  }
0x79: {  	_ =	shalt  }
0x7a: {  	_ =	shalt  }
0x7b: {  	_ =	shalt  }
0x7c: {  	_ =	shalt  }
0x7d: {  	_ =	shalt  }
0x7e: {  	_ =	shalt  }
0x7f: {  	_ =	shalt  }
0x80: {  	_ =	shalt  }
0x81: {  	_ =	shalt  }
0x82: {  	_ =	shalt  }
0x83: {  	_ =	shalt  }
0x84: {  	_ =	shalt  }
0x85: {  	_ =	shalt  }
0x86: {  	_ =	shalt  }
0x87: {  	_ =	shalt  }
.Lfunc_end0:
.L_simem_size_0:
called_computation_lowered:
.L_overlay_start_0:
0x88: {  	s2 =	sld [smem:$0x3FD9]  }
0x89: {  	s3 =	sld [smem:$0x3FFE];
	_ =	sdelay $0x1  }
0x8a: {  	s1 =	srdreg.scid  }
0x8b: {  	s0 =	sand.u32 $0x1, s1  }
0x8c: {  	s17 =	sshll.u32 s0, $0xA;
	s2 =	sadd.s32 s3, s2  }
0x8d: {  	s2 =	sadd.s32 s2, s17  }
0x8e: {  	[smem:$0x3FC4] =	sst s2  }
0x8f: {  	_ = 	snop  }
0x90: {  	s2 =	sld [smem:$0x3FC9]  }
0x91: {  	s18 =	sld [smem:$0x3FD0];
	(tm) =	ssettm $0x1  }
0x92: {  	s4 =	sld [smem:$0x3FFB];
	_ =	sdelay $0x3  }
0x93: {  	_ =	strace s4  }
0x94: {  	s4 =	sld [smem:$0x3FFC];
	_ =	sdelay $0x3  }
0x95: {  	_ =	strace s4  }
0x96: {  	s4 =	sld [smem:$0x3FFD];
	_ =	sdelay $0x3  }
0x97: {  	_ =	strace s4  }
0x98: {  	_ =	strace $0x8FFFFFFF  }
0x99: {  	s19 =	sld [smem:$0x3FDB];
	_ =	sdelay $0x1  }
0x9a: {  	s5 =	simm.s32 $_scs_section_size  }
0x9b: {  	s6 =	simm.s32 $_size__tile_overlayer_lowered;
	s7 =	simm.s32 $_tile_overlayer_lowered  }
0x9c: {  	s22 =	simm.s32 $0x1BFF;
	s21 =	sshll.u32 s7, $0x1;
	s4 =	sadd.s32 s5, s19  }
0x9d: {  	s8 =	simm.s32 $0x0;
	s20 =	sshll.u32 s6, $0x1;
	s6 =	sadd.s32 s21, s4  }
0x9e: {  	[timem:s8], [sflag:s22] =	dma.local [hbm:s6], s20  }
0x9f: {  	_ =	swait.ge [sflag:s22], s20  }
0xa0: {  	s5 =	ssub.s32 $0x0, s20;
	[sflag:s22] =	ssyncset.done $0x0  }
0xa1: {  	[sflag:s22] =	ssyncadd.s32 s5;
	_ =	sdelay $0x1  }
0xa2: {  	s23 =	simm.s32 $0x1B8B  }
0xa3: {  	_ =	swait.ge [sflag:s23], $0x1  }
0xa4: {  	[sflag:s23] =	ssyncset.done $0x0  }
0xa5: {  	s25 =	simm.s32 $0x1B8E;
	s24 =	sld [smem:$0x3FFE];
	[sflag:s23] =	ssyncadd.s32 $0xFFFFFFFF  }
0xa6: {  	s26 =	simm.s32 $execute0_lowered;
	[smem:$0x3FD2] =	sst s25  }
0xa7: {  	s6 =	sshll.u32 s26, $0x1;
	_ =	strace $0x80000046;
	[dreg:$0x1] =	wrdreg $0xFFFFFFFF  }
0xa8: {  	s28 =	simm.s32 $_size_execute0_lowered;
	s4 =	sadd.s32 s4, s6;
	[dreg:$0x0] =	wrdreg $0x0  }
0xa9: {  	s6 =	sshll.u32 s28, $0x1;
	[dreg:$0x2] =	wrdreg s4  }
0xaa: {  	[dreg:$0x3] =	wrdreg s6  }
0xab: {  	[dreg:$0x4] =	wrdreg $0xC0  }
0xac: {  	_ =	task [dreg:s8], $0x5FFFF  }
0xad: {  	[dreg:$0x1] =	wrdreg $0xFFFFFFFF  }
0xae: {  	[dreg:$0x0] =	wrdreg $0x60  }
0xaf: {  	[dreg:$0x2] =	wrdreg s2  }
0xb0: {  	[dreg:$0x3] =	wrdreg s18  }
0xb1: {  	[dreg:$0x4] =	wrdreg s24  }
0xb2: {  	[dreg:$0x5] =	wrdreg $0x9  }
0xb3: {  	_ =	task.clear_ibuf [dreg:s8], $0x6FFFF;
	_ =	strace $0x90000046  }
0xb4: {  	s29 =	simm.s32 $0x9;
	_ =	strace $0x80000048  }
0xb5: {  	_ =	swait.ge [sflag:s29], $0x1  }
0xb6: {  	[sflag:s29] =	ssyncadd.s32 $0xFFFFFFFF  }
0xb7: {  	_ =	strace $0x90000048  }
0xb8: {  	_ =	sfence  }
0xb9: {  	s30 =	sld [smem:$0x0];
	_ =	sdelay $0x2  }
0xba: {  	s31 =	sshll.u32 s1, $0xD;
	s1 =	sshrl.u32 s1, $0x2  }
0xbb: {  	s3 =	sand.u32 $0x4000, s31;
	s1 =	sadd.s32 s1, s30  }
0xbc: {  	s0 =	sor.u32 s3, s0;
	s1 =	sshll.u32 s1, $0x11  }
0xbd: {  	s0 =	sor.u32 s1, s0  }
0xbe: {  	s0 =	sadd.s32 $0x8F2B, s0  }
0xbf: {  	[sflag:s0] =	ssyncadd.remote.s32 $0x1  }
0xc0: {  	_ =	sfence.sel $0xFFFF  }
0xc1: {  	[dreg:$0x0] =	wrdreg $0xFFFFFFFF;
	(pc) =	sbr.abs _section_cstart, $3  }
0xc2: {  	[dreg:$0x1] =	wrdreg $0xFFFFFFFF  }
0xc3: {  	_ =	task.clear_ibuf [dreg:s8], $0x2FFFF;
	_ =	strace $0x9FFFFFFF  }
0xc4: {  	(tm) =	ssettm $0x7FFFFFFF  }
0xc5: {  	_ =	shalt  }
tec
execute0_lowered:
.L_overlay_start_1:
0x0: {  	(tag) =	ssettag $0x1  }
0x1: {  	s1 =	srdreg.scid;
	s5 =	rddreg [dreg:$0x0]  }
0x2: {  	s0 =	stileid.u32;
	s2 =	rddreg [dreg:$0x1];
	s4 =	sand.u32 $0x1, s1  }
0x3: {  	s6 =	rddreg [dreg:$0x2];
	s8 =	sshll.u32 s0, $0x3;
	s3 =	sshll.u32 s4, $0x2  }
0x4: {  	s1 =	rddreg [dreg:$0x3];
	s7 =	sor.u32 s3, s8;
	s3 =	simm.s32 $0x0  }
0x5: {  	[smem:$0x7FF] =	sst s3;
	s5 =	sadd.s32 s5, s7  }
0x6: {  	s10 =	simm.s32 $0x480;
	_ =	strace $0x80000047;
	[dreg:$0x4] =	wrdreg s5  }
0x7: {  	s11 =	simm.s32 $0x880;
	[dreg:$0x6] =	wrdreg s10  }
0x8: {  	s12 =	simm.s32 $0x100;
	[dreg:$0x7] =	wrdreg s11  }
0x9: {  	s13 =	simm.s32 $0x500;
	[dreg:$0x8] =	wrdreg s12  }
0xa: {  	s14 =	simm.s32 $0x900;
	[dreg:$0x9] =	wrdreg s13  }
0xb: {  	s15 =	simm.s32 $0x180;
	[dreg:$0xa] =	wrdreg s14  }
0xc: {  	s16 =	simm.s32 $0x580;
	[dreg:$0xb] =	wrdreg s15  }
0xd: {  	s17 =	simm.s32 $0x980;
	[dreg:$0xc] =	wrdreg s16  }
0xe: {  	s18 =	simm.s32 $0x200;
	[dreg:$0xd] =	wrdreg s17  }
0xf: {  	s19 =	simm.s32 $0x600;
	[dreg:$0xe] =	wrdreg s18  }
0x10: {  	s20 =	simm.s32 $0xA00;
	[dreg:$0xf] =	wrdreg s19  }
0x11: {  	s21 =	simm.s32 $0x280;
	[dreg:$0x10] =	wrdreg s20  }
0x12: {  	s22 =	simm.s32 $0x680;
	[dreg:$0x11] =	wrdreg s21  }
0x13: {  	s23 =	simm.s32 $0xA80;
	[dreg:$0x12] =	wrdreg s22  }
0x14: {  	s24 =	simm.s32 $0x300;
	[dreg:$0x13] =	wrdreg s23  }
0x15: {  	s25 =	simm.s32 $0x700;
	[dreg:$0x14] =	wrdreg s24  }
0x16: {  	s26 =	simm.s32 $0xB00;
	[dreg:$0x15] =	wrdreg s25  }
0x17: {  	s28 =	simm.s32 $0x380;
	[dreg:$0x16] =	wrdreg s26  }
0x18: {  	s29 =	simm.s32 $0x780;
	[dreg:$0x17] =	wrdreg s28  }
0x19: {  	s30 =	simm.s32 $0xB80;
	[dreg:$0x18] =	wrdreg s29  }
0x1a: {  	s31 =	simm.s32 $0x400;
	[dreg:$0x19] =	wrdreg s30  }
0x1b: {  	s8 =	smul.u32 $0x180, s7;
	s7 =	simm.s32 $0xC00;
	[dreg:$0x1a] =	wrdreg s31  }
0x1c: {  	[dreg:$0x1c] =	wrdreg s7;
	s10 =	simm.s32 $0x1480  }
0x1d: {  	s11 =	simm.s32 $0xD00;
	[dreg:$0x1f] =	wrdreg s10  }
0x1e: {  	s12 =	simm.s32 $0x1100;
	[smem:$0x7B9] =	sst s11  }
0x1f: {  	s13 =	simm.s32 $0x1500;
	[smem:$0x7BA] =	sst s12  }
0x20: {  	s14 =	simm.s32 $0xD80;
	[smem:$0x7BB] =	sst s13  }
0x21: {  	s15 =	simm.s32 $0x1180;
	[smem:$0x7BC] =	sst s14  }
0x22: {  	s16 =	simm.s32 $0x1580;
	[smem:$0x7BD] =	sst s15  }
0x23: {  	s17 =	simm.s32 $0xE00;
	[smem:$0x7BE] =	sst s16  }
0x24: {  	s18 =	simm.s32 $0x1200;
	[smem:$0x7BF] =	sst s17  }
0x25: {  	s19 =	simm.s32 $0x1600;
	[smem:$0x7C0] =	sst s18  }
0x26: {  	s20 =	simm.s32 $0xE80;
	[smem:$0x7C1] =	sst s19  }
0x27: {  	s21 =	simm.s32 $0x1280;
	[smem:$0x7C2] =	sst s20  }
0x28: {  	s22 =	simm.s32 $0x1680;
	[smem:$0x7C3] =	sst s21  }
0x29: {  	s23 =	simm.s32 $0xF00;
	[smem:$0x7C4] =	sst s22  }
0x2a: {  	s24 =	simm.s32 $0x1300;
	[smem:$0x7C5] =	sst s23  }
0x2b: {  	s25 =	simm.s32 $0x1700;
	[smem:$0x7C6] =	sst s24  }
0x2c: {  	s26 =	simm.s32 $0xF80;
	[smem:$0x7C7] =	sst s25  }
0x2d: {  	s28 =	simm.s32 $0x1380;
	[smem:$0x7C8] =	sst s26  }
0x2e: {  	s29 =	simm.s32 $0x1780;
	[smem:$0x7C9] =	sst s28  }
0x2f: {  	s30 =	simm.s32 $0x1000;
	[smem:$0x7CA] =	sst s29  }
0x30: {  	s31 =	simm.s32 $0x1400;
	[smem:$0x7CB] =	sst s30  }
0x31: {  	s7 =	simm.s32 $0x1880;
	[smem:$0x7CC] =	sst s31  }
0x32: {  	s6 =	sadd.s32 s8, s6;
	s8 =	simm.s32 $0xC80;
	[smem:$0x7CE] =	sst s7  }
0x33: {  	s10 =	simm.s32 $0x1900;
	[dreg:$0x1d] =	wrdreg s8  }
0x34: {  	s11 =	simm.s32 $0x1D00;
	[smem:$0x7D1] =	sst s10  }
0x35: {  	s12 =	simm.s32 $0x2100;
	[smem:$0x7D2] =	sst s11  }
0x36: {  	s13 =	simm.s32 $0x1980;
	[smem:$0x7D3] =	sst s12  }
0x37: {  	s14 =	simm.s32 $0x1D80;
	[smem:$0x7D4] =	sst s13  }
0x38: {  	s15 =	simm.s32 $0x2180;
	[smem:$0x7D5] =	sst s14  }
0x39: {  	s16 =	simm.s32 $0x1A00;
	[smem:$0x7D6] =	sst s15  }
0x3a: {  	s17 =	simm.s32 $0x1E00;
	[smem:$0x7D7] =	sst s16  }
0x3b: {  	s18 =	simm.s32 $0x2200;
	[smem:$0x7D8] =	sst s17  }
0x3c: {  	s19 =	simm.s32 $0x1A80;
	[smem:$0x7D9] =	sst s18  }
0x3d: {  	s20 =	simm.s32 $0x1E80;
	[smem:$0x7DA] =	sst s19  }
0x3e: {  	s21 =	simm.s32 $0x2280;
	[smem:$0x7DB] =	sst s20  }
0x3f: {  	s22 =	simm.s32 $0x1B00;
	[smem:$0x7DC] =	sst s21  }
0x40: {  	s23 =	simm.s32 $0x1F00;
	[smem:$0x7DD] =	sst s22  }
0x41: {  	s24 =	simm.s32 $0x2300;
	[smem:$0x7DE] =	sst s23  }
0x42: {  	s25 =	simm.s32 $0x1B80;
	[smem:$0x7DF] =	sst s24  }
0x43: {  	s26 =	simm.s32 $0x1F80;
	[smem:$0x7E0] =	sst s25  }
0x44: {  	s28 =	simm.s32 $0x2380;
	[smem:$0x7E1] =	sst s26  }
0x45: {  	s29 =	simm.s32 $0x1C00;
	[smem:$0x7E2] =	sst s28  }
0x46: {  	s30 =	simm.s32 $0x2000;
	[smem:$0x7E3] =	sst s29  }
0x47: {  	s31 =	simm.s32 $0x2400;
	[smem:$0x7E4] =	sst s30  }
0x48: {  	s7 =	simm.s32 $0x2880;
	[smem:$0x7E5] =	sst s31  }
0x49: {  	s9 =	sadd.s32 $0x800, s6;
	[smem:$0x7E7] =	sst s7  }
0x4a: {  	s6 =	simm.s32 $0x800;
	[dreg:$0x5] =	wrdreg s9  }
0x4b: {  	s8 =	simm.s32 $0x1C80;
	[dreg:$0x1b] =	wrdreg s6  }
0x4c: {  	s10 =	simm.s32 $0x2900;
	[smem:$0x7CF] =	sst s8  }
0x4d: {  	s11 =	simm.s32 $0x2D00;
	[smem:$0x7EA] =	sst s10  }
0x4e: {  	s12 =	simm.s32 $0x2580;
	[smem:$0x7EB] =	sst s11  }
0x4f: {  	s13 =	simm.s32 $0x2980;
	[smem:$0x7EC] =	sst s12  }
0x50: {  	s14 =	simm.s32 $0x2D80;
	[smem:$0x7ED] =	sst s13  }
0x51: {  	s15 =	simm.s32 $0x2600;
	[smem:$0x7EE] =	sst s14  }
0x52: {  	s16 =	simm.s32 $0x2A00;
	[smem:$0x7EF] =	sst s15  }
0x53: {  	s17 =	simm.s32 $0x2E00;
	[smem:$0x7F0] =	sst s16  }
0x54: {  	s18 =	simm.s32 $0x2680;
	[smem:$0x7F1] =	sst s17  }
0x55: {  	s19 =	simm.s32 $0x2A80;
	[smem:$0x7F2] =	sst s18  }
0x56: {  	s20 =	simm.s32 $0x2E80;
	[smem:$0x7F3] =	sst s19  }
0x57: {  	s21 =	simm.s32 $0x2700;
	[smem:$0x7F4] =	sst s20  }
0x58: {  	s22 =	simm.s32 $0x2B00;
	[smem:$0x7F5] =	sst s21  }
0x59: {  	s23 =	simm.s32 $0x2F00;
	[smem:$0x7F6] =	sst s22  }
0x5a: {  	s24 =	simm.s32 $0x2780;
	[smem:$0x7F7] =	sst s23  }
0x5b: {  	s25 =	simm.s32 $0x2B80;
	[smem:$0x7F8] =	sst s24  }
0x5c: {  	s28 =	simm.s32 $0x2F80;
	[smem:$0x7F9] =	sst s25  }
0x5d: {  	s29 =	simm.s32 $0x2800;
	[smem:$0x7FA] =	sst s28  }
0x5e: {  	s30 =	simm.s32 $0x2C00;
	[smem:$0x7FB] =	sst s29  }
0x5f: {  	s31 =	simm.s32 $0x3000;
	[smem:$0x7FC] =	sst s30  }
0x60: {  	s9 =	simm.s32 $0x1080;
	[smem:$0x7FD] =	sst s31  }
0x61: {  	s4 =	ssub.s32 $0x2, s4;
	s6 =	simm.s32 $0x1800;
	[dreg:$0x1e] =	wrdreg s9  }
0x62: {  	s5 =	simm.s32 $0x2;
	s8 =	simm.s32 $0x2C80;
	[smem:$0x7CD] =	sst s6  }
0x63: {  	s26 =	sshrl.u32 s4, $0x1;
	s9 =	simm.s32 $0x2080;
	[smem:$0x7E8] =	sst s8  }
0x64: {  	s7 =	simm.s32 $0x1;
	s6 =	simm.s32 $0x2480;
	[smem:$0x7D0] =	sst s9  }
0x65: {  	s4 =	ssub.s32 s4, s26;
	[smem:$0x7E6] =	sst s6;
	s9 =	simm.s32 $0x2500  }
0x66: {  	s4 =	smax.u32 s4, $0x1;
	s6 =	simm.s32 $0x80;
	[smem:$0x7E9] =	sst s9  }
.LBB2_1:
0x67: {  	s8 =	rddreg [dreg:$0x4]  }
0x68: {  	[tilespmem:s3], [sflag:$0x2] =	stream.linear.gather [hbm4b:s8+s3], $0x20, $0x38;
	[tilespmem:$0x3080] =	vst v63  }
0x69: {  	_ =	swait.ge [sflag:s5], $0x20  }
0x6a: {  	[sflag:s5] =	ssyncset.done $0x0  }
0x6b: {  	[sflag:s5] =	ssyncadd.s32 $0xFFFFFFE0  }
0x6c: {  	v0 =	vld [tilespmem:$0x0];
	_ =	sdelay $0x4  }
0x6d: {  	(v2sf) =	vpush v0, $0x0;
	_ =	sdelay $0xe  }
0x6e: {  	s22 =	spop (v2sf)  }
0x6f: {  	s9 =	sshrl.u32 s22, $0x3  }
0x70: {  	s8 =	sshll.u32 s22, $0x7;
	s9 =	smul.u32 $0xC00, s9  }
0x71: {  	s8 =	sand.u32 $0x380, s8  }
0x72: {  	s8 =	sor.u32 s8, s9  }
0x73: {  	s8 =	sshrl.u32 s8, $0x3  }
0x74: {  	s8 =	sadd.s32 s2, s8  }
0x75: {  	[tilespmem:s6], [sflag:$0x1] =	stream.linear.gather [hbm4b:s8+s3], $0x80, $0x38;
	[tilespmem:$0x3080] =	vst v63  }
0x76: {  	s23 =	rddreg [dreg:$0x6];
	s10 =	sadd.s32 $0x80, s8  }
0x77: {  	[tilespmem:s23], [sflag:$0x1] =	stream.linear.gather [hbm4b:s10+s3], $0x80, $0x38;
	[tilespmem:$0x3080] =	vst v63  }
0x78: {  	s11 =	rddreg [dreg:$0x7];
	s8 =	sadd.s32 $0x100, s8  }
0x79: {  	[tilespmem:s11], [sflag:$0x1] =	stream.linear.gather [hbm4b:s8+s3], $0x80, $0x38;
	[tilespmem:$0x3080] =	vst v63  }
0x7a: {  	v33 =	vld [tilespmem:$0x0];
	_ =	sdelay $0x4  }
0x7b: {  	(v2sf) =	vpush v33, $0x1;
	_ =	sdelay $0xe  }
0x7c: {  	s24 =	spop (v2sf)  }
0x7d: {  	s25 =	sshrl.u32 s24, $0x3  }
0x7e: {  	s8 =	sshll.u32 s24, $0x7;
	s9 =	smul.u32 $0xC00, s25  }
0x7f: {  	s8 =	sand.u32 $0x380, s8  }
0x80: {  	s8 =	sor.u32 s8, s9  }
0x81: {  	s8 =	sshrl.u32 s8, $0x3  }
0x82: {  	s26 =	rddreg [dreg:$0x8];
	s8 =	sadd.s32 s2, s8  }
0x83: {  	[tilespmem:s26], [sflag:$0x1] =	stream.linear.gather [hbm4b:s8+s3], $0x80, $0x38;
	[tilespmem:$0x3080] =	vst v63  }
0x84: {  	s28 =	rddreg [dreg:$0x9];
	s29 =	sadd.s32 $0x80, s8  }
0x85: {  	[tilespmem:s28], [sflag:$0x1] =	stream.linear.gather [hbm4b:s29+s3], $0x80, $0x38;
	[tilespmem:$0x3080] =	vst v63  }
0x86: {  	s30 =	rddreg [dreg:$0xa];
	s8 =	sadd.s32 $0x100, s8  }
0x87: {  	[tilespmem:s30], [sflag:$0x1] =	stream.linear.gather [hbm4b:s8+s3], $0x80, $0x38;
	[tilespmem:$0x3080] =	vst v63  }
0x88: {  	v34 =	vld [tilespmem:$0x0];
	_ =	sdelay $0x4  }
0x89: {  	(v2sf) =	vpush v34, $0x2;
	_ =	sdelay $0xe  }
0x8a: {  	s31 =	spop (v2sf)  }
0x8b: {  	s10 =	sshrl.u32 s31, $0x3  }
0x8c: {  	s8 =	sshll.u32 s31, $0x7;
	s9 =	smul.u32 $0xC00, s10  }
0x8d: {  	s8 =	sand.u32 $0x380, s8  }
0x8e: {  	s8 =	sor.u32 s8, s9  }
0x8f: {  	s8 =	sshrl.u32 s8, $0x3  }
0x90: {  	s11 =	rddreg [dreg:$0xb];
	s8 =	sadd.s32 s2, s8  }
0x91: {  	[tilespmem:s11], [sflag:$0x1] =	stream.linear.gather [hbm4b:s8+s3], $0x80, $0x38;
	[tilespmem:$0x3080] =	vst v63  }
0x92: {  	s12 =	rddreg [dreg:$0xc];
	s13 =	sadd.s32 $0x80, s8  }
0x93: {  	[tilespmem:s12], [sflag:$0x1] =	stream.linear.gather [hbm4b:s13+s3], $0x80, $0x38;
	[tilespmem:$0x3080] =	vst v63  }
0x94: {  	s14 =	rddreg [dreg:$0xd];
	s8 =	sadd.s32 $0x100, s8  }
0x95: {  	[tilespmem:s14], [sflag:$0x1] =	stream.linear.gather [hbm4b:s8+s3], $0x80, $0x38;
	[tilespmem:$0x3080] =	vst v63  }
0x96: {  	v35 =	vld [tilespmem:$0x0];
	_ =	sdelay $0x4  }
0x97: {  	(v2sf) =	vpush v35, $0x3;
	_ =	sdelay $0xe  }
0x98: {  	s15 =	spop (v2sf)  }
0x99: {  	s16 =	sshrl.u32 s15, $0x3  }
0x9a: {  	s8 =	sshll.u32 s15, $0x7;
	s9 =	smul.u32 $0xC00, s16  }
0x9b: {  	s8 =	sand.u32 $0x380, s8  }
0x9c: {  	s8 =	sor.u32 s8, s9  }
0x9d: {  	s8 =	sshrl.u32 s8, $0x3  }
0x9e: {  	s17 =	rddreg [dreg:$0xe];
	s8 =	sadd.s32 s2, s8  }
0x9f: {  	[tilespmem:s17], [sflag:$0x1] =	stream.linear.gather [hbm4b:s8+s3], $0x80, $0x38;
	[tilespmem:$0x3080] =	vst v63  }
0xa0: {  	s18 =	rddreg [dreg:$0xf];
	s19 =	sadd.s32 $0x80, s8  }
0xa1: {  	[tilespmem:s18], [sflag:$0x1] =	stream.linear.gather [hbm4b:s19+s3], $0x80, $0x38;
	[tilespmem:$0x3080] =	vst v63  }
0xa2: {  	s20 =	rddreg [dreg:$0x10];
	s8 =	sadd.s32 $0x100, s8  }
0xa3: {  	[tilespmem:s20], [sflag:$0x1] =	stream.linear.gather [hbm4b:s8+s3], $0x80, $0x38;
	[tilespmem:$0x3080] =	vst v63  }
0xa4: {  	v36 =	vld [tilespmem:$0x0];
	_ =	sdelay $0x4  }
0xa5: {  	(v2sf) =	vpush v36, $0x4;
	_ =	sdelay $0xe  }
0xa6: {  	s21 =	spop (v2sf)  }
0xa7: {  	s22 =	sshrl.u32 s21, $0x3  }
0xa8: {  	s8 =	sshll.u32 s21, $0x7;
	s9 =	smul.u32 $0xC00, s22  }
0xa9: {  	s8 =	sand.u32 $0x380, s8  }
0xaa: {  	s8 =	sor.u32 s8, s9  }
0xab: {  	s8 =	sshrl.u32 s8, $0x3  }
0xac: {  	s23 =	rddreg [dreg:$0x11];
	s8 =	sadd.s32 s2, s8  }
0xad: {  	[tilespmem:s23], [sflag:$0x1] =	stream.linear.gather [hbm4b:s8+s3], $0x80, $0x38;
	[tilespmem:$0x3080] =	vst v63  }
0xae: {  	s24 =	rddreg [dreg:$0x12];
	s25 =	sadd.s32 $0x80, s8  }
0xaf: {  	[tilespmem:s24], [sflag:$0x1] =	stream.linear.gather [hbm4b:s25+s3], $0x80, $0x38;
	[tilespmem:$0x3080] =	vst v63  }
0xb0: {  	s26 =	rddreg [dreg:$0x13];
	s8 =	sadd.s32 $0x100, s8  }
0xb1: {  	[tilespmem:s26], [sflag:$0x1] =	stream.linear.gather [hbm4b:s8+s3], $0x80, $0x38;
	[tilespmem:$0x3080] =	vst v63  }
0xb2: {  	v37 =	vld [tilespmem:$0x0];
	_ =	sdelay $0x4  }
0xb3: {  	(v2sf) =	vpush v37, $0x5;
	_ =	sdelay $0xe  }
0xb4: {  	s28 =	spop (v2sf)  }
0xb5: {  	s29 =	sshrl.u32 s28, $0x3  }
0xb6: {  	s8 =	sshll.u32 s28, $0x7;
	s9 =	smul.u32 $0xC00, s29  }
0xb7: {  	s8 =	sand.u32 $0x380, s8  }
0xb8: {  	s8 =	sor.u32 s8, s9  }
0xb9: {  	s8 =	sshrl.u32 s8, $0x3  }
0xba: {  	s30 =	rddreg [dreg:$0x14];
	s8 =	sadd.s32 s2, s8  }
0xbb: {  	[tilespmem:s30], [sflag:$0x1] =	stream.linear.gather [hbm4b:s8+s3], $0x80, $0x38;
	[tilespmem:$0x3080] =	vst v63  }
0xbc: {  	s31 =	rddreg [dreg:$0x15];
	s11 =	sadd.s32 $0x80, s8  }
0xbd: {  	[tilespmem:s31], [sflag:$0x1] =	stream.linear.gather [hbm4b:s11+s3], $0x80, $0x38;
	[tilespmem:$0x3080] =	vst v63  }
0xbe: {  	s12 =	rddreg [dreg:$0x16];
	s8 =	sadd.s32 $0x100, s8  }
0xbf: {  	[tilespmem:s12], [sflag:$0x1] =	stream.linear.gather [hbm4b:s8+s3], $0x80, $0x38;
	[tilespmem:$0x3080] =	vst v63  }
0xc0: {  	v38 =	vld [tilespmem:$0x0];
	_ =	sdelay $0x4  }
0xc1: {  	(v2sf) =	vpush v38, $0x6;
	_ =	sdelay $0xe  }
0xc2: {  	s13 =	spop (v2sf)  }
0xc3: {  	s14 =	sshrl.u32 s13, $0x3  }
0xc4: {  	s8 =	sshll.u32 s13, $0x7;
	s9 =	smul.u32 $0xC00, s14  }
0xc5: {  	s8 =	sand.u32 $0x380, s8  }
0xc6: {  	s8 =	sor.u32 s8, s9  }
0xc7: {  	s8 =	sshrl.u32 s8, $0x3  }
0xc8: {  	s15 =	rddreg [dreg:$0x17];
	s8 =	sadd.s32 s2, s8  }
0xc9: {  	[tilespmem:s15], [sflag:$0x1] =	stream.linear.gather [hbm4b:s8+s3], $0x80, $0x38;
	[tilespmem:$0x3080] =	vst v63  }
0xca: {  	s16 =	rddreg [dreg:$0x18];
	s17 =	sadd.s32 $0x80, s8  }
0xcb: {  	[tilespmem:s16], [sflag:$0x1] =	stream.linear.gather [hbm4b:s17+s3], $0x80, $0x38;
	[tilespmem:$0x3080] =	vst v63  }
0xcc: {  	s18 =	rddreg [dreg:$0x19];
	s8 =	sadd.s32 $0x100, s8  }
0xcd: {  	[tilespmem:s18], [sflag:$0x1] =	stream.linear.gather [hbm4b:s8+s3], $0x80, $0x38;
	[tilespmem:$0x3080] =	vst v63  }
0xce: {  	v39 =	vld [tilespmem:$0x0];
	_ =	sdelay $0x4  }
0xcf: {  	(v2sf) =	vpush v39, $0x7;
	_ =	sdelay $0xe  }
0xd0: {  	s19 =	spop (v2sf)  }
0xd1: {  	s20 =	sshrl.u32 s19, $0x3  }
0xd2: {  	s8 =	sshll.u32 s19, $0x7;
	s9 =	smul.u32 $0xC00, s20  }
0xd3: {  	s8 =	sand.u32 $0x380, s8  }
0xd4: {  	s8 =	sor.u32 s8, s9  }
0xd5: {  	s8 =	sshrl.u32 s8, $0x3  }
0xd6: {  	s21 =	rddreg [dreg:$0x1a];
	s8 =	sadd.s32 s2, s8  }
0xd7: {  	[tilespmem:s21], [sflag:$0x1] =	stream.linear.gather [hbm4b:s8+s3], $0x80, $0x38;
	[tilespmem:$0x3080] =	vst v63  }
0xd8: {  	s22 =	rddreg [dreg:$0x1b];
	s23 =	sadd.s32 $0x80, s8  }
0xd9: {  	[tilespmem:s22], [sflag:$0x1] =	stream.linear.gather [hbm4b:s23+s3], $0x80, $0x38;
	[tilespmem:$0x3080] =	vst v63  }
0xda: {  	s24 =	rddreg [dreg:$0x1c];
	s8 =	sadd.s32 $0x100, s8  }
0xdb: {  	[tilespmem:s24], [sflag:$0x1] =	stream.linear.gather [hbm4b:s8+s3], $0x80, $0x38;
	[tilespmem:$0x3080] =	vst v63  }
0xdc: {  	v40 =	vld [tilespmem:$0x0];
	_ =	sdelay $0x4  }
0xdd: {  	(v2sf) =	vpush v40, $0x8;
	_ =	sdelay $0xe  }
0xde: {  	s25 =	spop (v2sf)  }
0xdf: {  	s26 =	sshrl.u32 s25, $0x3  }
0xe0: {  	s8 =	sshll.u32 s25, $0x7;
	s9 =	smul.u32 $0xC00, s26  }
0xe1: {  	s8 =	sand.u32 $0x380, s8  }
0xe2: {  	s8 =	sor.u32 s8, s9  }
0xe3: {  	s8 =	sshrl.u32 s8, $0x3  }
0xe4: {  	s28 =	rddreg [dreg:$0x1d];
	s8 =	sadd.s32 s2, s8  }
0xe5: {  	[tilespmem:s28], [sflag:$0x1] =	stream.linear.gather [hbm4b:s8+s3], $0x80, $0x38;
	[tilespmem:$0x3080] =	vst v63  }
0xe6: {  	s29 =	rddreg [dreg:$0x1e];
	s30 =	sadd.s32 $0x80, s8  }
0xe7: {  	[tilespmem:s29], [sflag:$0x1] =	stream.linear.gather [hbm4b:s30+s3], $0x80, $0x38;
	[tilespmem:$0x3080] =	vst v63  }
0xe8: {  	s31 =	rddreg [dreg:$0x1f];
	s8 =	sadd.s32 $0x100, s8  }
0xe9: {  	[tilespmem:s31], [sflag:$0x1] =	stream.linear.gather [hbm4b:s8+s3], $0x80, $0x38;
	[tilespmem:$0x3080] =	vst v63  }
0xea: {  	v41 =	vld [tilespmem:$0x0];
	_ =	sdelay $0x4  }
0xeb: {  	(v2sf) =	vpush v41, $0x9;
	_ =	sdelay $0xe  }
0xec: {  	s12 =	spop (v2sf)  }
0xed: {  	s13 =	sshrl.u32 s12, $0x3  }
0xee: {  	s8 =	sshll.u32 s12, $0x7;
	s9 =	smul.u32 $0xC00, s13  }
0xef: {  	s8 =	sand.u32 $0x380, s8  }
0xf0: {  	s14 =	sld [smem:$0x7B9];
	s8 =	sor.u32 s8, s9  }
0xf1: {  	s8 =	sshrl.u32 s8, $0x3  }
0xf2: {  	s15 =	sld [smem:$0x7BA];
	s8 =	sadd.s32 s2, s8  }
0xf3: {  	[tilespmem:s14], [sflag:$0x1] =	stream.linear.gather [hbm4b:s8+s3], $0x80, $0x38;
	[tilespmem:$0x3080] =	vst v63  }
0xf4: {  	s17 =	sld [smem:$0x7BB];
	s16 =	sadd.s32 $0x80, s8  }
0xf5: {  	[tilespmem:s15], [sflag:$0x1] =	stream.linear.gather [hbm4b:s16+s3], $0x80, $0x38;
	[tilespmem:$0x3080] =	vst v63  }
0xf6: {  	s8 =	sadd.s32 $0x100, s8  }
0xf7: {  	[tilespmem:s17], [sflag:$0x1] =	stream.linear.gather [hbm4b:s8+s3], $0x80, $0x38;
	[tilespmem:$0x3080] =	vst v63  }
0xf8: {  	v42 =	vld [tilespmem:$0x0];
	_ =	sdelay $0x4  }
0xf9: {  	(v2sf) =	vpush v42, $0xA;
	_ =	sdelay $0xe  }
0xfa: {  	s18 =	spop (v2sf)  }
0xfb: {  	s19 =	sshrl.u32 s18, $0x3  }
0xfc: {  	s8 =	sshll.u32 s18, $0x7;
	s9 =	smul.u32 $0xC00, s19  }
0xfd: {  	s8 =	sand.u32 $0x380, s8  }
0xfe: {  	s20 =	sld [smem:$0x7BC];
	s8 =	sor.u32 s8, s9  }
0xff: {  	s8 =	sshrl.u32 s8, $0x3  }
0x100: {  	s21 =	sld [smem:$0x7BD];
	s8 =	sadd.s32 s2, s8  }
0x101: {  	[tilespmem:s20], [sflag:$0x1] =	stream.linear.gather [hbm4b:s8+s3], $0x80, $0x38;
	[tilespmem:$0x3080] =	vst v63  }
0x102: {  	s23 =	sld [smem:$0x7BE];
	s22 =	sadd.s32 $0x80, s8  }
0x103: {  	[tilespmem:s21], [sflag:$0x1] =	stream.linear.gather [hbm4b:s22+s3], $0x80, $0x38;
	[tilespmem:$0x3080] =	vst v63  }
0x104: {  	s8 =	sadd.s32 $0x100, s8  }
0x105: {  	[tilespmem:s23], [sflag:$0x1] =	stream.linear.gather [hbm4b:s8+s3], $0x80, $0x38;
	[tilespmem:$0x3080] =	vst v63  }
0x106: {  	v43 =	vld [tilespmem:$0x0];
	_ =	sdelay $0x4  }
0x107: {  	(v2sf) =	vpush v43, $0xB;
	_ =	sdelay $0xe  }
0x108: {  	s24 =	spop (v2sf)  }
0x109: {  	s25 =	sshrl.u32 s24, $0x3  }
0x10a: {  	s8 =	sshll.u32 s24, $0x7;
	s9 =	smul.u32 $0xC00, s25  }
0x10b: {  	s8 =	sand.u32 $0x380, s8  }
0x10c: {  	s26 =	sld [smem:$0x7BF];
	s8 =	sor.u32 s8, s9  }
0x10d: {  	s8 =	sshrl.u32 s8, $0x3  }
0x10e: {  	s28 =	sld [smem:$0x7C0];
	s8 =	sadd.s32 s2, s8  }
0x10f: {  	[tilespmem:s26], [sflag:$0x1] =	stream.linear.gather [hbm4b:s8+s3], $0x80, $0x38;
	[tilespmem:$0x3080] =	vst v63  }
0x110: {  	s30 =	sld [smem:$0x7C1];
	s29 =	sadd.s32 $0x80, s8  }
0x111: {  	[tilespmem:s28], [sflag:$0x1] =	stream.linear.gather [hbm4b:s29+s3], $0x80, $0x38;
	[tilespmem:$0x3080] =	vst v63  }
0x112: {  	s8 =	sadd.s32 $0x100, s8  }
0x113: {  	[tilespmem:s30], [sflag:$0x1] =	stream.linear.gather [hbm4b:s8+s3], $0x80, $0x38;
	[tilespmem:$0x3080] =	vst v63  }
0x114: {  	v44 =	vld [tilespmem:$0x0];
	_ =	sdelay $0x4  }
0x115: {  	(v2sf) =	vpush v44, $0xC;
	_ =	sdelay $0xe  }
0x116: {  	s31 =	spop (v2sf)  }
0x117: {  	s10 =	sshrl.u32 s31, $0x3  }
0x118: {  	s8 =	sshll.u32 s31, $0x7;
	s9 =	smul.u32 $0xC00, s10  }
0x119: {  	s8 =	sand.u32 $0x380, s8  }
0x11a: {  	s11 =	sld [smem:$0x7C2];
	s8 =	sor.u32 s8, s9  }
0x11b: {  	s8 =	sshrl.u32 s8, $0x3  }
0x11c: {  	s12 =	sld [smem:$0x7C3];
	s8 =	sadd.s32 s2, s8  }
0x11d: {  	[tilespmem:s11], [sflag:$0x1] =	stream.linear.gather [hbm4b:s8+s3], $0x80, $0x38;
	[tilespmem:$0x3080] =	vst v63  }
0x11e: {  	s14 =	sld [smem:$0x7C4];
	s13 =	sadd.s32 $0x80, s8  }
0x11f: {  	[tilespmem:s12], [sflag:$0x1] =	stream.linear.gather [hbm4b:s13+s3], $0x80, $0x38;
	[tilespmem:$0x3080] =	vst v63  }
0x120: {  	s8 =	sadd.s32 $0x100, s8  }
0x121: {  	[tilespmem:s14], [sflag:$0x1] =	stream.linear.gather [hbm4b:s8+s3], $0x80, $0x38;
	[tilespmem:$0x3080] =	vst v63  }
0x122: {  	v45 =	vld [tilespmem:$0x0];
	_ =	sdelay $0x4  }
0x123: {  	(v2sf) =	vpush v45, $0xD;
	_ =	sdelay $0xe  }
0x124: {  	s15 =	spop (v2sf)  }
0x125: {  	s16 =	sshrl.u32 s15, $0x3  }
0x126: {  	s8 =	sshll.u32 s15, $0x7;
	s9 =	smul.u32 $0xC00, s16  }
0x127: {  	s8 =	sand.u32 $0x380, s8  }
0x128: {  	s17 =	sld [smem:$0x7C5];
	s8 =	sor.u32 s8, s9  }
0x129: {  	s8 =	sshrl.u32 s8, $0x3  }
0x12a: {  	s18 =	sld [smem:$0x7C6];
	s8 =	sadd.s32 s2, s8  }
0x12b: {  	[tilespmem:s17], [sflag:$0x1] =	stream.linear.gather [hbm4b:s8+s3], $0x80, $0x38;
	[tilespmem:$0x3080] =	vst v63  }
0x12c: {  	s20 =	sld [smem:$0x7C7];
	s19 =	sadd.s32 $0x80, s8  }
0x12d: {  	[tilespmem:s18], [sflag:$0x1] =	stream.linear.gather [hbm4b:s19+s3], $0x80, $0x38;
	[tilespmem:$0x3080] =	vst v63  }
0x12e: {  	s8 =	sadd.s32 $0x100, s8  }
0x12f: {  	[tilespmem:s20], [sflag:$0x1] =	stream.linear.gather [hbm4b:s8+s3], $0x80, $0x38;
	[tilespmem:$0x3080] =	vst v63  }
0x130: {  	v46 =	vld [tilespmem:$0x0];
	_ =	sdelay $0x4  }
0x131: {  	(v2sf) =	vpush v46, $0xE;
	_ =	sdelay $0xe  }
0x132: {  	s21 =	spop (v2sf)  }
0x133: {  	s22 =	sshrl.u32 s21, $0x3  }
0x134: {  	s8 =	sshll.u32 s21, $0x7;
	s9 =	smul.u32 $0xC00, s22  }
0x135: {  	s8 =	sand.u32 $0x380, s8  }
0x136: {  	s23 =	sld [smem:$0x7C8];
	s8 =	sor.u32 s8, s9  }
0x137: {  	s8 =	sshrl.u32 s8, $0x3  }
0x138: {  	s24 =	sld [smem:$0x7C9];
	s8 =	sadd.s32 s2, s8  }
0x139: {  	[tilespmem:s23], [sflag:$0x1] =	stream.linear.gather [hbm4b:s8+s3], $0x80, $0x38;
	[tilespmem:$0x3080] =	vst v63  }
0x13a: {  	s26 =	sld [smem:$0x7CA];
	s25 =	sadd.s32 $0x80, s8  }
0x13b: {  	[tilespmem:s24], [sflag:$0x1] =	stream.linear.gather [hbm4b:s25+s3], $0x80, $0x38;
	[tilespmem:$0x3080] =	vst v63  }
0x13c: {  	s8 =	sadd.s32 $0x100, s8  }
0x13d: {  	[tilespmem:s26], [sflag:$0x1] =	stream.linear.gather [hbm4b:s8+s3], $0x80, $0x38;
	[tilespmem:$0x3080] =	vst v63  }
0x13e: {  	v47 =	vld [tilespmem:$0x0];
	_ =	sdelay $0x4  }
0x13f: {  	(v2sf) =	vpush v47, $0xF;
	_ =	sdelay $0xe  }
0x140: {  	s28 =	spop (v2sf)  }
0x141: {  	s29 =	sshrl.u32 s28, $0x3  }
0x142: {  	s8 =	sshll.u32 s28, $0x7;
	s9 =	smul.u32 $0xC00, s29  }
0x143: {  	s8 =	sand.u32 $0x380, s8  }
0x144: {  	s30 =	sld [smem:$0x7CB];
	s8 =	sor.u32 s8, s9  }
0x145: {  	s8 =	sshrl.u32 s8, $0x3  }
0x146: {  	s31 =	sld [smem:$0x7CC];
	s8 =	sadd.s32 s2, s8  }
0x147: {  	[tilespmem:s30], [sflag:$0x1] =	stream.linear.gather [hbm4b:s8+s3], $0x80, $0x38;
	[tilespmem:$0x3080] =	vst v63  }
0x148: {  	s12 =	sld [smem:$0x7CD];
	s11 =	sadd.s32 $0x80, s8  }
0x149: {  	[tilespmem:s31], [sflag:$0x1] =	stream.linear.gather [hbm4b:s11+s3], $0x80, $0x38;
	[tilespmem:$0x3080] =	vst v63  }
0x14a: {  	s8 =	sadd.s32 $0x100, s8  }
0x14b: {  	[tilespmem:s12], [sflag:$0x1] =	stream.linear.gather [hbm4b:s8+s3], $0x80, $0x38;
	[tilespmem:$0x3080] =	vst v63  }
0x14c: {  	v48 =	vld [tilespmem:$0x10];
	_ =	sdelay $0x4  }
0x14d: {  	(v2sf) =	vpush v48, $0x0;
	_ =	sdelay $0xe  }
0x14e: {  	s13 =	spop (v2sf)  }
0x14f: {  	s14 =	sshrl.u32 s13, $0x3  }
0x150: {  	s8 =	sshll.u32 s13, $0x7;
	s9 =	smul.u32 $0xC00, s14  }
0x151: {  	s8 =	sand.u32 $0x380, s8  }
0x152: {  	s15 =	sld [smem:$0x7CE];
	s8 =	sor.u32 s8, s9  }
0x153: {  	s8 =	sshrl.u32 s8, $0x3  }
0x154: {  	s16 =	sld [smem:$0x7CF];
	s8 =	sadd.s32 s2, s8  }
0x155: {  	[tilespmem:s15], [sflag:$0x1] =	stream.linear.gather [hbm4b:s8+s3], $0x80, $0x38;
	[tilespmem:$0x3080] =	vst v63  }
0x156: {  	s18 =	sld [smem:$0x7D0];
	s17 =	sadd.s32 $0x80, s8  }
0x157: {  	[tilespmem:s16], [sflag:$0x1] =	stream.linear.gather [hbm4b:s17+s3], $0x80, $0x38;
	[tilespmem:$0x3080] =	vst v63  }
0x158: {  	s8 =	sadd.s32 $0x100, s8  }
0x159: {  	[tilespmem:s18], [sflag:$0x1] =	stream.linear.gather [hbm4b:s8+s3], $0x80, $0x38;
	[tilespmem:$0x3080] =	vst v63  }
0x15a: {  	v49 =	vld [tilespmem:$0x10];
	_ =	sdelay $0x4  }
0x15b: {  	(v2sf) =	vpush v49, $0x1;
	_ =	sdelay $0xe  }
0x15c: {  	s19 =	spop (v2sf)  }
0x15d: {  	s20 =	sshrl.u32 s19, $0x3  }
0x15e: {  	s8 =	sshll.u32 s19, $0x7;
	s9 =	smul.u32 $0xC00, s20  }
0x15f: {  	s8 =	sand.u32 $0x380, s8  }
0x160: {  	s21 =	sld [smem:$0x7D1];
	s8 =	sor.u32 s8, s9  }
0x161: {  	s8 =	sshrl.u32 s8, $0x3  }
0x162: {  	s22 =	sld [smem:$0x7D2];
	s8 =	sadd.s32 s2, s8  }
0x163: {  	[tilespmem:s21], [sflag:$0x1] =	stream.linear.gather [hbm4b:s8+s3], $0x80, $0x38;
	[tilespmem:$0x3080] =	vst v63  }
0x164: {  	s24 =	sld [smem:$0x7D3];
	s23 =	sadd.s32 $0x80, s8  }
0x165: {  	[tilespmem:s22], [sflag:$0x1] =	stream.linear.gather [hbm4b:s23+s3], $0x80, $0x38;
	[tilespmem:$0x3080] =	vst v63  }
0x166: {  	s8 =	sadd.s32 $0x100, s8  }
0x167: {  	[tilespmem:s24], [sflag:$0x1] =	stream.linear.gather [hbm4b:s8+s3], $0x80, $0x38;
	[tilespmem:$0x3080] =	vst v63  }
0x168: {  	v50 =	vld [tilespmem:$0x10];
	_ =	sdelay $0x4  }
0x169: {  	(v2sf) =	vpush v50, $0x2;
	_ =	sdelay $0xe  }
0x16a: {  	s25 =	spop (v2sf)  }
0x16b: {  	s26 =	sshrl.u32 s25, $0x3  }
0x16c: {  	s8 =	sshll.u32 s25, $0x7;
	s9 =	smul.u32 $0xC00, s26  }
0x16d: {  	s8 =	sand.u32 $0x380, s8  }
0x16e: {  	s28 =	sld [smem:$0x7D4];
	s8 =	sor.u32 s8, s9  }
0x16f: {  	s8 =	sshrl.u32 s8, $0x3  }
0x170: {  	s29 =	sld [smem:$0x7D5];
	s8 =	sadd.s32 s2, s8  }
0x171: {  	[tilespmem:s28], [sflag:$0x1] =	stream.linear.gather [hbm4b:s8+s3], $0x80, $0x38;
	[tilespmem:$0x3080] =	vst v63  }
0x172: {  	s31 =	sld [smem:$0x7D6];
	s30 =	sadd.s32 $0x80, s8  }
0x173: {  	[tilespmem:s29], [sflag:$0x1] =	stream.linear.gather [hbm4b:s30+s3], $0x80, $0x38;
	[tilespmem:$0x3080] =	vst v63  }
0x174: {  	s8 =	sadd.s32 $0x100, s8  }
0x175: {  	[tilespmem:s31], [sflag:$0x1] =	stream.linear.gather [hbm4b:s8+s3], $0x80, $0x38;
	[tilespmem:$0x3080] =	vst v63  }
0x176: {  	v51 =	vld [tilespmem:$0x10];
	_ =	sdelay $0x4  }
0x177: {  	(v2sf) =	vpush v51, $0x3;
	_ =	sdelay $0xe  }
0x178: {  	s12 =	spop (v2sf)  }
0x179: {  	s13 =	sshrl.u32 s12, $0x3  }
0x17a: {  	s8 =	sshll.u32 s12, $0x7;
	s9 =	smul.u32 $0xC00, s13  }
0x17b: {  	s8 =	sand.u32 $0x380, s8  }
0x17c: {  	s14 =	sld [smem:$0x7D7];
	s8 =	sor.u32 s8, s9  }
0x17d: {  	s8 =	sshrl.u32 s8, $0x3  }
0x17e: {  	s15 =	sld [smem:$0x7D8];
	s8 =	sadd.s32 s2, s8  }
0x17f: {  	[tilespmem:s14], [sflag:$0x1] =	stream.linear.gather [hbm4b:s8+s3], $0x80, $0x38;
	[tilespmem:$0x3080] =	vst v63  }
0x180: {  	s17 =	sld [smem:$0x7D9];
	s16 =	sadd.s32 $0x80, s8  }
0x181: {  	[tilespmem:s15], [sflag:$0x1] =	stream.linear.gather [hbm4b:s16+s3], $0x80, $0x38;
	[tilespmem:$0x3080] =	vst v63  }
0x182: {  	s8 =	sadd.s32 $0x100, s8  }
0x183: {  	[tilespmem:s17], [sflag:$0x1] =	stream.linear.gather [hbm4b:s8+s3], $0x80, $0x38;
	[tilespmem:$0x3080] =	vst v63  }
0x184: {  	v52 =	vld [tilespmem:$0x10];
	_ =	sdelay $0x4  }
0x185: {  	(v2sf) =	vpush v52, $0x4;
	_ =	sdelay $0xe  }
0x186: {  	s18 =	spop (v2sf)  }
0x187: {  	s19 =	sshrl.u32 s18, $0x3  }
0x188: {  	s8 =	sshll.u32 s18, $0x7;
	s9 =	smul.u32 $0xC00, s19  }
0x189: {  	s8 =	sand.u32 $0x380, s8  }
0x18a: {  	s20 =	sld [smem:$0x7DA];
	s8 =	sor.u32 s8, s9  }
0x18b: {  	s8 =	sshrl.u32 s8, $0x3  }
0x18c: {  	s21 =	sld [smem:$0x7DB];
	s8 =	sadd.s32 s2, s8  }
0x18d: {  	[tilespmem:s20], [sflag:$0x1] =	stream.linear.gather [hbm4b:s8+s3], $0x80, $0x38;
	[tilespmem:$0x3080] =	vst v63  }
0x18e: {  	s23 =	sld [smem:$0x7DC];
	s22 =	sadd.s32 $0x80, s8  }
0x18f: {  	[tilespmem:s21], [sflag:$0x1] =	stream.linear.gather [hbm4b:s22+s3], $0x80, $0x38;
	[tilespmem:$0x3080] =	vst v63  }
0x190: {  	s8 =	sadd.s32 $0x100, s8  }
0x191: {  	[tilespmem:s23], [sflag:$0x1] =	stream.linear.gather [hbm4b:s8+s3], $0x80, $0x38;
	[tilespmem:$0x3080] =	vst v63  }
0x192: {  	v53 =	vld [tilespmem:$0x10];
	_ =	sdelay $0x4  }
0x193: {  	(v2sf) =	vpush v53, $0x5;
	_ =	sdelay $0xe  }
0x194: {  	s24 =	spop (v2sf)  }
0x195: {  	s25 =	sshrl.u32 s24, $0x3  }
0x196: {  	s8 =	sshll.u32 s24, $0x7;
	s9 =	smul.u32 $0xC00, s25  }
0x197: {  	s8 =	sand.u32 $0x380, s8  }
0x198: {  	s26 =	sld [smem:$0x7DD];
	s8 =	sor.u32 s8, s9  }
0x199: {  	s8 =	sshrl.u32 s8, $0x3  }
0x19a: {  	s28 =	sld [smem:$0x7DE];
	s8 =	sadd.s32 s2, s8  }
0x19b: {  	[tilespmem:s26], [sflag:$0x1] =	stream.linear.gather [hbm4b:s8+s3], $0x80, $0x38;
	[tilespmem:$0x3080] =	vst v63  }
0x19c: {  	s30 =	sld [smem:$0x7DF];
	s29 =	sadd.s32 $0x80, s8  }
0x19d: {  	[tilespmem:s28], [sflag:$0x1] =	stream.linear.gather [hbm4b:s29+s3], $0x80, $0x38;
	[tilespmem:$0x3080] =	vst v63  }
0x19e: {  	s8 =	sadd.s32 $0x100, s8  }
0x19f: {  	[tilespmem:s30], [sflag:$0x1] =	stream.linear.gather [hbm4b:s8+s3], $0x80, $0x38;
	[tilespmem:$0x3080] =	vst v63  }
0x1a0: {  	v54 =	vld [tilespmem:$0x10];
	_ =	sdelay $0x4  }
0x1a1: {  	(v2sf) =	vpush v54, $0x6;
	_ =	sdelay $0xe  }
0x1a2: {  	s31 =	spop (v2sf)  }
0x1a3: {  	s10 =	sshrl.u32 s31, $0x3  }
0x1a4: {  	s8 =	sshll.u32 s31, $0x7;
	s9 =	smul.u32 $0xC00, s10  }
0x1a5: {  	s8 =	sand.u32 $0x380, s8  }
0x1a6: {  	s11 =	sld [smem:$0x7E0];
	s8 =	sor.u32 s8, s9  }
0x1a7: {  	s8 =	sshrl.u32 s8, $0x3  }
0x1a8: {  	s12 =	sld [smem:$0x7E1];
	s8 =	sadd.s32 s2, s8  }
0x1a9: {  	[tilespmem:s11], [sflag:$0x1] =	stream.linear.gather [hbm4b:s8+s3], $0x80, $0x38;
	[tilespmem:$0x3080] =	vst v63  }
0x1aa: {  	s14 =	sld [smem:$0x7E2];
	s13 =	sadd.s32 $0x80, s8  }
0x1ab: {  	[tilespmem:s12], [sflag:$0x1] =	stream.linear.gather [hbm4b:s13+s3], $0x80, $0x38;
	[tilespmem:$0x3080] =	vst v63  }
0x1ac: {  	s8 =	sadd.s32 $0x100, s8  }
0x1ad: {  	[tilespmem:s14], [sflag:$0x1] =	stream.linear.gather [hbm4b:s8+s3], $0x80, $0x38;
	[tilespmem:$0x3080] =	vst v63  }
0x1ae: {  	v55 =	vld [tilespmem:$0x10];
	_ =	sdelay $0x4  }
0x1af: {  	(v2sf) =	vpush v55, $0x7;
	_ =	sdelay $0xe  }
0x1b0: {  	s15 =	spop (v2sf)  }
0x1b1: {  	s16 =	sshrl.u32 s15, $0x3  }
0x1b2: {  	s8 =	sshll.u32 s15, $0x7;
	s9 =	smul.u32 $0xC00, s16  }
0x1b3: {  	s8 =	sand.u32 $0x380, s8  }
0x1b4: {  	s17 =	sld [smem:$0x7E3];
	s8 =	sor.u32 s8, s9  }
0x1b5: {  	s8 =	sshrl.u32 s8, $0x3  }
0x1b6: {  	s18 =	sld [smem:$0x7E4];
	s8 =	sadd.s32 s2, s8  }
0x1b7: {  	[tilespmem:s17], [sflag:$0x1] =	stream.linear.gather [hbm4b:s8+s3], $0x80, $0x38;
	[tilespmem:$0x3080] =	vst v63  }
0x1b8: {  	s20 =	sld [smem:$0x7E5];
	s19 =	sadd.s32 $0x80, s8  }
0x1b9: {  	[tilespmem:s18], [sflag:$0x1] =	stream.linear.gather [hbm4b:s19+s3], $0x80, $0x38;
	[tilespmem:$0x3080] =	vst v63  }
0x1ba: {  	s8 =	sadd.s32 $0x100, s8  }
0x1bb: {  	[tilespmem:s20], [sflag:$0x1] =	stream.linear.gather [hbm4b:s8+s3], $0x80, $0x38;
	[tilespmem:$0x3080] =	vst v63  }
0x1bc: {  	v56 =	vld [tilespmem:$0x10];
	_ =	sdelay $0x4  }
0x1bd: {  	(v2sf) =	vpush v56, $0x8;
	_ =	sdelay $0xe  }
0x1be: {  	s21 =	spop (v2sf)  }
0x1bf: {  	s22 =	sshrl.u32 s21, $0x3  }
0x1c0: {  	s8 =	sshll.u32 s21, $0x7;
	s9 =	smul.u32 $0xC00, s22  }
0x1c1: {  	s8 =	sand.u32 $0x380, s8  }
0x1c2: {  	s23 =	sld [smem:$0x7E6];
	s8 =	sor.u32 s8, s9  }
0x1c3: {  	s8 =	sshrl.u32 s8, $0x3  }
0x1c4: {  	s24 =	sld [smem:$0x7E7];
	s8 =	sadd.s32 s2, s8  }
0x1c5: {  	[tilespmem:s23], [sflag:$0x1] =	stream.linear.gather [hbm4b:s8+s3], $0x80, $0x38;
	[tilespmem:$0x3080] =	vst v63  }
0x1c6: {  	s26 =	sld [smem:$0x7E8];
	s25 =	sadd.s32 $0x80, s8  }
0x1c7: {  	[tilespmem:s24], [sflag:$0x1] =	stream.linear.gather [hbm4b:s25+s3], $0x80, $0x38;
	[tilespmem:$0x3080] =	vst v63  }
0x1c8: {  	s8 =	sadd.s32 $0x100, s8  }
0x1c9: {  	[tilespmem:s26], [sflag:$0x1] =	stream.linear.gather [hbm4b:s8+s3], $0x80, $0x38;
	[tilespmem:$0x3080] =	vst v63  }
0x1ca: {  	v57 =	vld [tilespmem:$0x10];
	_ =	sdelay $0x4  }
0x1cb: {  	(v2sf) =	vpush v57, $0x9;
	_ =	sdelay $0xe  }
0x1cc: {  	s28 =	spop (v2sf)  }
0x1cd: {  	s29 =	sshrl.u32 s28, $0x3  }
0x1ce: {  	s8 =	sshll.u32 s28, $0x7;
	s9 =	smul.u32 $0xC00, s29  }
0x1cf: {  	s8 =	sand.u32 $0x380, s8  }
0x1d0: {  	s30 =	sld [smem:$0x7E9];
	s8 =	sor.u32 s8, s9  }
0x1d1: {  	s8 =	sshrl.u32 s8, $0x3  }
0x1d2: {  	s31 =	sld [smem:$0x7EA];
	s8 =	sadd.s32 s2, s8  }
0x1d3: {  	[tilespmem:s30], [sflag:$0x1] =	stream.linear.gather [hbm4b:s8+s3], $0x80, $0x38;
	[tilespmem:$0x3080] =	vst v63  }
0x1d4: {  	s12 =	sld [smem:$0x7EB];
	s11 =	sadd.s32 $0x80, s8  }
0x1d5: {  	[tilespmem:s31], [sflag:$0x1] =	stream.linear.gather [hbm4b:s11+s3], $0x80, $0x38;
	[tilespmem:$0x3080] =	vst v63  }
0x1d6: {  	s8 =	sadd.s32 $0x100, s8  }
0x1d7: {  	[tilespmem:s12], [sflag:$0x1] =	stream.linear.gather [hbm4b:s8+s3], $0x80, $0x38;
	[tilespmem:$0x3080] =	vst v63  }
0x1d8: {  	v58 =	vld [tilespmem:$0x10];
	_ =	sdelay $0x4  }
0x1d9: {  	(v2sf) =	vpush v58, $0xA;
	_ =	sdelay $0xe  }
0x1da: {  	s13 =	spop (v2sf)  }
0x1db: {  	s14 =	sshrl.u32 s13, $0x3  }
0x1dc: {  	s8 =	sshll.u32 s13, $0x7;
	s9 =	smul.u32 $0xC00, s14  }
0x1dd: {  	s8 =	sand.u32 $0x380, s8  }
0x1de: {  	s15 =	sld [smem:$0x7EC];
	s8 =	sor.u32 s8, s9  }
0x1df: {  	s8 =	sshrl.u32 s8, $0x3  }
0x1e0: {  	s16 =	sld [smem:$0x7ED];
	s8 =	sadd.s32 s2, s8  }
0x1e1: {  	[tilespmem:s15], [sflag:$0x1] =	stream.linear.gather [hbm4b:s8+s3], $0x80, $0x38;
	[tilespmem:$0x3080] =	vst v63  }
0x1e2: {  	s18 =	sld [smem:$0x7EE];
	s17 =	sadd.s32 $0x80, s8  }
0x1e3: {  	[tilespmem:s16], [sflag:$0x1] =	stream.linear.gather [hbm4b:s17+s3], $0x80, $0x38;
	[tilespmem:$0x3080] =	vst v63  }
0x1e4: {  	s8 =	sadd.s32 $0x100, s8  }
0x1e5: {  	[tilespmem:s18], [sflag:$0x1] =	stream.linear.gather [hbm4b:s8+s3], $0x80, $0x38;
	[tilespmem:$0x3080] =	vst v63  }
0x1e6: {  	v59 =	vld [tilespmem:$0x10];
	_ =	sdelay $0x4  }
0x1e7: {  	(v2sf) =	vpush v59, $0xB;
	_ =	sdelay $0xe  }
0x1e8: {  	s19 =	spop (v2sf)  }
0x1e9: {  	s20 =	sshrl.u32 s19, $0x3  }
0x1ea: {  	s8 =	sshll.u32 s19, $0x7;
	s9 =	smul.u32 $0xC00, s20  }
0x1eb: {  	s8 =	sand.u32 $0x380, s8  }
0x1ec: {  	s21 =	sld [smem:$0x7EF];
	s8 =	sor.u32 s8, s9  }
0x1ed: {  	s8 =	sshrl.u32 s8, $0x3  }
0x1ee: {  	s22 =	sld [smem:$0x7F0];
	s8 =	sadd.s32 s2, s8  }
0x1ef: {  	[tilespmem:s21], [sflag:$0x1] =	stream.linear.gather [hbm4b:s8+s3], $0x80, $0x38;
	[tilespmem:$0x3080] =	vst v63  }
0x1f0: {  	s24 =	sld [smem:$0x7F1];
	s23 =	sadd.s32 $0x80, s8  }
0x1f1: {  	[tilespmem:s22], [sflag:$0x1] =	stream.linear.gather [hbm4b:s23+s3], $0x80, $0x38;
	[tilespmem:$0x3080] =	vst v63  }
0x1f2: {  	s8 =	sadd.s32 $0x100, s8  }
0x1f3: {  	[tilespmem:s24], [sflag:$0x1] =	stream.linear.gather [hbm4b:s8+s3], $0x80, $0x38;
	[tilespmem:$0x3080] =	vst v63  }
0x1f4: {  	v60 =	vld [tilespmem:$0x10];
	_ =	sdelay $0x4  }
0x1f5: {  	(v2sf) =	vpush v60, $0xC;
	_ =	sdelay $0xe  }
0x1f6: {  	s25 =	spop (v2sf)  }
0x1f7: {  	s26 =	sshrl.u32 s25, $0x3  }
0x1f8: {  	s8 =	sshll.u32 s25, $0x7;
	s9 =	smul.u32 $0xC00, s26  }
0x1f9: {  	s8 =	sand.u32 $0x380, s8  }
0x1fa: {  	s28 =	sld [smem:$0x7F2];
	s8 =	sor.u32 s8, s9  }
0x1fb: {  	s8 =	sshrl.u32 s8, $0x3  }
0x1fc: {  	s29 =	sld [smem:$0x7F3];
	s8 =	sadd.s32 s2, s8  }
0x1fd: {  	[tilespmem:s28], [sflag:$0x1] =	stream.linear.gather [hbm4b:s8+s3], $0x80, $0x38;
	[tilespmem:$0x3080] =	vst v63  }
0x1fe: {  	s31 =	sld [smem:$0x7F4];
	s30 =	sadd.s32 $0x80, s8  }
0x1ff: {  	[tilespmem:s29], [sflag:$0x1] =	stream.linear.gather [hbm4b:s30+s3], $0x80, $0x38;
	[tilespmem:$0x3080] =	vst v63  }
0x200: {  	s8 =	sadd.s32 $0x100, s8  }
0x201: {  	[tilespmem:s31], [sflag:$0x1] =	stream.linear.gather [hbm4b:s8+s3], $0x80, $0x38;
	[tilespmem:$0x3080] =	vst v63  }
0x202: {  	v61 =	vld [tilespmem:$0x10];
	_ =	sdelay $0x4  }
0x203: {  	(v2sf) =	vpush v61, $0xD;
	_ =	sdelay $0xe  }
0x204: {  	s12 =	spop (v2sf)  }
0x205: {  	s13 =	sshrl.u32 s12, $0x3  }
0x206: {  	s8 =	sshll.u32 s12, $0x7;
	s9 =	smul.u32 $0xC00, s13  }
0x207: {  	s8 =	sand.u32 $0x380, s8  }
0x208: {  	s14 =	sld [smem:$0x7F5];
	s8 =	sor.u32 s8, s9  }
0x209: {  	s8 =	sshrl.u32 s8, $0x3  }
0x20a: {  	s15 =	sld [smem:$0x7F6];
	s8 =	sadd.s32 s2, s8  }
0x20b: {  	[tilespmem:s14], [sflag:$0x1] =	stream.linear.gather [hbm4b:s8+s3], $0x80, $0x38;
	[tilespmem:$0x3080] =	vst v63  }
0x20c: {  	s17 =	sld [smem:$0x7F7];
	s16 =	sadd.s32 $0x80, s8  }
0x20d: {  	[tilespmem:s15], [sflag:$0x1] =	stream.linear.gather [hbm4b:s16+s3], $0x80, $0x38;
	[tilespmem:$0x3080] =	vst v63  }
0x20e: {  	s8 =	sadd.s32 $0x100, s8  }
0x20f: {  	[tilespmem:s17], [sflag:$0x1] =	stream.linear.gather [hbm4b:s8+s3], $0x80, $0x38;
	[tilespmem:$0x3080] =	vst v63  }
0x210: {  	v62 =	vld [tilespmem:$0x10];
	_ =	sdelay $0x4  }
0x211: {  	(v2sf) =	vpush v62, $0xE;
	_ =	sdelay $0xe  }
0x212: {  	s18 =	spop (v2sf)  }
0x213: {  	s19 =	sshrl.u32 s18, $0x3  }
0x214: {  	s8 =	sshll.u32 s18, $0x7;
	s9 =	smul.u32 $0xC00, s19  }
0x215: {  	s8 =	sand.u32 $0x380, s8  }
0x216: {  	s20 =	sld [smem:$0x7F8];
	s8 =	sor.u32 s8, s9  }
0x217: {  	s8 =	sshrl.u32 s8, $0x3  }
0x218: {  	s21 =	sld [smem:$0x7F9];
	s8 =	sadd.s32 s2, s8  }
0x219: {  	[tilespmem:s20], [sflag:$0x1] =	stream.linear.gather [hbm4b:s8+s3], $0x80, $0x38;
	[tilespmem:$0x3080] =	vst v63  }
0x21a: {  	s23 =	sld [smem:$0x7FA];
	s22 =	sadd.s32 $0x80, s8  }
0x21b: {  	[tilespmem:s21], [sflag:$0x1] =	stream.linear.gather [hbm4b:s22+s3], $0x80, $0x38;
	[tilespmem:$0x3080] =	vst v63  }
0x21c: {  	s8 =	sadd.s32 $0x100, s8  }
0x21d: {  	[tilespmem:s23], [sflag:$0x1] =	stream.linear.gather [hbm4b:s8+s3], $0x80, $0x38;
	[tilespmem:$0x3080] =	vst v63  }
0x21e: {  	v63 =	vld [tilespmem:$0x10];
	_ =	sdelay $0x4  }
0x21f: {  	(v2sf) =	vpush v63, $0xF;
	_ =	sdelay $0xe  }
0x220: {  	s24 =	spop (v2sf)  }
0x221: {  	s25 =	sshrl.u32 s24, $0x3  }
0x222: {  	s8 =	sshll.u32 s24, $0x7;
	s9 =	smul.u32 $0xC00, s25  }
0x223: {  	s8 =	sand.u32 $0x380, s8  }
0x224: {  	s26 =	sld [smem:$0x7FB];
	s8 =	sor.u32 s8, s9  }
0x225: {  	s8 =	sshrl.u32 s8, $0x3  }
0x226: {  	s28 =	sld [smem:$0x7FC];
	s8 =	sadd.s32 s2, s8  }
0x227: {  	[tilespmem:s26], [sflag:$0x1] =	stream.linear.gather [hbm4b:s8+s3], $0x80, $0x38;
	[tilespmem:$0x3080] =	vst v63  }
0x228: {  	s30 =	sld [smem:$0x7FD];
	s29 =	sadd.s32 $0x80, s8  }
0x229: {  	[tilespmem:s28], [sflag:$0x1] =	stream.linear.gather [hbm4b:s29+s3], $0x80, $0x38;
	[tilespmem:$0x3080] =	vst v63  }
0x22a: {  	s8 =	sadd.s32 $0x100, s8  }
0x22b: {  	[tilespmem:s30], [sflag:$0x1] =	stream.linear.gather [hbm4b:s8+s3], $0x80, $0x38;
	[tilespmem:$0x3080] =	vst v63  }
0x22c: {  	_ =	swait.ge [sflag:s7], $0x180  }
0x22d: {  	[sflag:s7] =	ssyncset.done $0x0  }
0x22e: {  	[sflag:s7] =	ssyncadd.s32 $0xFFFFFE80  }
0x22f: {  	_ =	swait.ge [sflag:s7], $0x180  }
0x230: {  	[sflag:s7] =	ssyncset.done $0x0  }
0x231: {  	[sflag:s7] =	ssyncadd.s32 $0xFFFFFE80  }
0x232: {  	_ =	swait.ge [sflag:s7], $0x180  }
0x233: {  	[sflag:s7] =	ssyncset.done $0x0  }
0x234: {  	[sflag:s7] =	ssyncadd.s32 $0xFFFFFE80  }
0x235: {  	_ =	swait.ge [sflag:s7], $0x180  }
0x236: {  	[sflag:s7] =	ssyncset.done $0x0  }
0x237: {  	[sflag:s7] =	ssyncadd.s32 $0xFFFFFE80  }
0x238: {  	_ =	swait.ge [sflag:s7], $0x180  }
0x239: {  	[sflag:s7] =	ssyncset.done $0x0  }
0x23a: {  	[sflag:s7] =	ssyncadd.s32 $0xFFFFFE80  }
0x23b: {  	_ =	swait.ge [sflag:s7], $0x180  }
0x23c: {  	[sflag:s7] =	ssyncset.done $0x0  }
0x23d: {  	[sflag:s7] =	ssyncadd.s32 $0xFFFFFE80  }
0x23e: {  	_ =	swait.ge [sflag:s7], $0x180  }
0x23f: {  	[sflag:s7] =	ssyncset.done $0x0  }
0x240: {  	[sflag:s7] =	ssyncadd.s32 $0xFFFFFE80  }
0x241: {  	_ =	swait.ge [sflag:s7], $0x180  }
0x242: {  	[sflag:s7] =	ssyncset.done $0x0  }
0x243: {  	[sflag:s7] =	ssyncadd.s32 $0xFFFFFE80  }
0x244: {  	_ =	swait.ge [sflag:s7], $0x180  }
0x245: {  	[sflag:s7] =	ssyncset.done $0x0  }
0x246: {  	[sflag:s7] =	ssyncadd.s32 $0xFFFFFE80  }
0x247: {  	_ =	swait.ge [sflag:s7], $0x180  }
0x248: {  	[sflag:s7] =	ssyncset.done $0x0  }
0x249: {  	[sflag:s7] =	ssyncadd.s32 $0xFFFFFE80  }
0x24a: {  	_ =	swait.ge [sflag:s7], $0x180  }
0x24b: {  	[sflag:s7] =	ssyncset.done $0x0  }
0x24c: {  	[sflag:s7] =	ssyncadd.s32 $0xFFFFFE80  }
0x24d: {  	_ =	swait.ge [sflag:s7], $0x180  }
0x24e: {  	[sflag:s7] =	ssyncset.done $0x0  }
0x24f: {  	[sflag:s7] =	ssyncadd.s32 $0xFFFFFE80  }
0x250: {  	_ =	swait.ge [sflag:s7], $0x180  }
0x251: {  	[sflag:s7] =	ssyncset.done $0x0  }
0x252: {  	[sflag:s7] =	ssyncadd.s32 $0xFFFFFE80  }
0x253: {  	_ =	swait.ge [sflag:s7], $0x180  }
0x254: {  	[sflag:s7] =	ssyncset.done $0x0  }
0x255: {  	[sflag:s7] =	ssyncadd.s32 $0xFFFFFE80  }
0x256: {  	_ =	swait.ge [sflag:s7], $0x180  }
0x257: {  	[sflag:s7] =	ssyncset.done $0x0  }
0x258: {  	[sflag:s7] =	ssyncadd.s32 $0xFFFFFE80  }
0x259: {  	_ =	swait.ge [sflag:s7], $0x180  }
0x25a: {  	[sflag:s7] =	ssyncset.done $0x0  }
0x25b: {  	[sflag:s7] =	ssyncadd.s32 $0xFFFFFE80  }
0x25c: {  	_ =	swait.ge [sflag:s7], $0x180  }
0x25d: {  	[sflag:s7] =	ssyncset.done $0x0  }
0x25e: {  	[sflag:s7] =	ssyncadd.s32 $0xFFFFFE80  }
0x25f: {  	_ =	swait.ge [sflag:s7], $0x180  }
0x260: {  	[sflag:s7] =	ssyncset.done $0x0  }
0x261: {  	[sflag:s7] =	ssyncadd.s32 $0xFFFFFE80  }
0x262: {  	_ =	swait.ge [sflag:s7], $0x180  }
0x263: {  	[sflag:s7] =	ssyncset.done $0x0  }
0x264: {  	[sflag:s7] =	ssyncadd.s32 $0xFFFFFE80  }
0x265: {  	_ =	swait.ge [sflag:s7], $0x180  }
0x266: {  	[sflag:s7] =	ssyncset.done $0x0  }
0x267: {  	[sflag:s7] =	ssyncadd.s32 $0xFFFFFE80  }
0x268: {  	_ =	swait.ge [sflag:s7], $0x180  }
0x269: {  	[sflag:s7] =	ssyncset.done $0x0  }
0x26a: {  	[sflag:s7] =	ssyncadd.s32 $0xFFFFFE80  }
0x26b: {  	_ =	swait.ge [sflag:s7], $0x180  }
0x26c: {  	[sflag:s7] =	ssyncset.done $0x0  }
0x26d: {  	[sflag:s7] =	ssyncadd.s32 $0xFFFFFE80  }
0x26e: {  	_ =	swait.ge [sflag:s7], $0x180  }
0x26f: {  	[sflag:s7] =	ssyncset.done $0x0  }
0x270: {  	[sflag:s7] =	ssyncadd.s32 $0xFFFFFE80  }
0x271: {  	_ =	swait.ge [sflag:s7], $0x180  }
0x272: {  	[sflag:s7] =	ssyncset.done $0x0  }
0x273: {  	[sflag:s7] =	ssyncadd.s32 $0xFFFFFE80  }
0x274: {  	_ =	swait.ge [sflag:s7], $0x180  }
0x275: {  	[sflag:s7] =	ssyncset.done $0x0  }
0x276: {  	[sflag:s7] =	ssyncadd.s32 $0xFFFFFE80  }
0x277: {  	_ =	swait.ge [sflag:s7], $0x180  }
0x278: {  	[sflag:s7] =	ssyncset.done $0x0  }
0x279: {  	[sflag:s7] =	ssyncadd.s32 $0xFFFFFE80  }
0x27a: {  	_ =	swait.ge [sflag:s7], $0x180  }
0x27b: {  	[sflag:s7] =	ssyncset.done $0x0  }
0x27c: {  	[sflag:s7] =	ssyncadd.s32 $0xFFFFFE80  }
0x27d: {  	_ =	swait.ge [sflag:s7], $0x180  }
0x27e: {  	[sflag:s7] =	ssyncset.done $0x0  }
0x27f: {  	[sflag:s7] =	ssyncadd.s32 $0xFFFFFE80  }
0x280: {  	_ =	swait.ge [sflag:s7], $0x180  }
0x281: {  	[sflag:s7] =	ssyncset.done $0x0  }
0x282: {  	[sflag:s7] =	ssyncadd.s32 $0xFFFFFE80  }
0x283: {  	_ =	swait.ge [sflag:s7], $0x180  }
0x284: {  	[sflag:s7] =	ssyncset.done $0x0  }
0x285: {  	[sflag:s7] =	ssyncadd.s32 $0xFFFFFE80  }
0x286: {  	_ =	swait.ge [sflag:s7], $0x180  }
0x287: {  	[sflag:s7] =	ssyncset.done $0x0  }
0x288: {  	[sflag:s7] =	ssyncadd.s32 $0xFFFFFE80  }
0x289: {  	_ =	swait.ge [sflag:s7], $0x180  }
0x28a: {  	p0 =	sne.s32 s4, $0x1;
	[sflag:s7] =	ssyncset.done $0x0  }
.Ltmp0:
0x28b: {  	s31 =	rddreg [dreg:$0x5];
	[sflag:s7] =	ssyncadd.s32 $0xFFFFFE80;
	(pc) =	sbr.rel @p0 .LBB2_1-.Ltmp0, $4  }
0x28c: {  	[hbm4b:s31+s3] =	stream.linear.scatter [tilespmem:s6], [sflag:$0x2], $0x3000, $0x38;
	[tilespmem:$0x3080] =	vst v63  }
0x28d: {  	_ =	swait.ge [sflag:s5], $0x3000  }
0x28e: {  	[sflag:s5] =	ssyncset.done $0x0  }
0x28f: {  	s4 =	sadd.s32 $0xFFFFFFFF, s4;
	[sflag:s5] =	ssyncadd.s32 $0xFFFFD000  }
0x290: {  	_ =	sfence.sel $0x180000  }
0x291: {  	[bflag:$0x0] =	sbarrier.arrive $0xFFFF  }
0x292: {  	p0 =	sne.s32 s0, $0x0;
	_ =	strace $0x90000047  }
0x293: {  	s0 =	sadd.s32 @!p0 $0x100000, s1;
	[bflag:$0x2] =	sbarrier.arrive $0xFFFF  }
0x294: {  	[sflag:s0] =	ssyncadd.tile.s32 @!p0 $0x1;
	_ =	shalt  }
.Lfunc_end2:
_tile_overlayer_lowered:
.L_overlay_start_2:
0x295: {  	(tag) =	ssettag $0x2  }
0x296: {  	s0 =	rddreg [dreg:$0x0];
	s2 =	stileid.u32  }
0x297: {  	s1 =	rddreg [dreg:$0x1];
	p0 =	sne.s32 s2, $0x0  }
0x298: {  	s3 =	rddreg [dreg:$0x2];
	[bflag:$0x3] =	sbarrier.arrive $0xFFFF;
	s2 =	simm.s32 @!p0 $0x1C02  }
0x299: {  	[timem:s3], [sflag:s2] =	dma.local @!p0 [hbm:s0], s1  }
0x29a: {  	s0 =	simm.s32 @!p0 $0x2  }
0x29b: {  	_ =	swait.ge @!p0 [sflag:s0], s1  }
0x29c: {  	s1 =	ssub.s32 @!p0 $0x0, s1;
	[sflag:s0] =	ssyncset.done @!p0 $0x0  }
0x29d: {  	[sflag:s0] =	ssyncadd.s32 @!p0 s1  }
0x29e: {  	[bflag:$0x3] =	sbarrier.arrive $0xFFFF  }
0x29f: {  	_ =	shalt  }

</sc_bundles>
